<compile_context>
chip_gen: v7x
topology: tpu7x:2x2x1
jax: 0.10.2.dev20260603
libtpu: 0.0.44.dev20260713+nightly
codegen_flags: <defaults>
</compile_context>

<pallas_src>
import functools

import jax
import jax.numpy as jnp
from jax import lax
from jax.experimental import pallas as pl
from jax.experimental.pallas import tpu as pltpu
from jax.experimental.pallas import tpu_sc as plsc

VOCAB_SIZE = 100000
EMBED_DIM = 128
MAXLEN = 200
BATCH = 1024

NUM_CORES = 2
NUM_SUBCORES = 16
NUM_WORKERS = NUM_CORES * NUM_SUBCORES

SUBGATHER = 100
SUBS = MAXLEN // SUBGATHER
N = BATCH // NUM_WORKERS
NBUF = 4
LANES = 16
VECS_PER_ROW = EMBED_DIM // LANES

STORE_LO = 96
STORE_HI = MAXLEN - STORE_LO


def _emb_kernel(idx_hbm, token_hbm, pos_hbm, out_hbm, pos_v, *rest):
    idx_b = rest[0:NBUF]
    rows_b = rest[NBUF:2 * NBUF]
    isem_b = rest[2 * NBUF:3 * NBUF]
    gsem_b = tuple(
        tuple(rest[3 * NBUF + 2 * b:3 * NBUF + 2 * b + 2]) for b in range(NBUF)
    )
    ssem_b = rest[5 * NBUF:6 * NBUF]
    psem = rest[6 * NBUF]

    wid = lax.axis_index("s") * NUM_CORES + lax.axis_index("c")
    base = wid * N

    pltpu.async_copy(pos_hbm, pos_v, psem)

    def gather_half(p, h):
        return (
            token_hbm.at[idx_b[p].at[h]],
            rows_b[p].at[pl.ds(h * SUBGATHER, SUBGATHER)],
            gsem_b[p][h],
        )

    def start_gathers(p):
        for h in range(SUBS):
            pltpu.async_copy(*gather_half(p, h))

    def wait_gather_half(p, h):
        pltpu.make_async_copy(*gather_half(p, h)).wait()

    def wait_idx(p):
        pltpu.make_async_copy(idx_hbm.at[base], idx_b[p], isem_b[p]).wait()

    def wait_store(p):
        pltpu.make_async_copy(
            rows_b[p], out_hbm.at[pl.ds(0, MAXLEN)], ssem_b[p]
        ).wait()

    def add_pos_rows(p, lo, n):
        def row_body(r, c2):
            for v in range(VECS_PER_ROW):
                sl = pl.ds(v * LANES, LANES)
                plsc.addupdate(rows_b[p].at[r, sl], pos_v[r, sl])
            return c2

        lax.fori_loop(lo, lo + n, row_body, 0, unroll=False)

    def store_rows(p, j, lo, n):
        pltpu.async_copy(
            rows_b[p].at[pl.ds(lo, n)],
            out_hbm.at[pl.ds((base + j) * MAXLEN + lo, n)],
            ssem_b[p],
        )

    pltpu.async_copy(idx_hbm.at[base], idx_b[0], isem_b[0])
    pltpu.async_copy(idx_hbm.at[base + 1], idx_b[1], isem_b[1])
    wait_idx(0)
    start_gathers(0)
    wait_idx(1)
    start_gathers(1)
    pltpu.async_copy(idx_hbm.at[base + 2], idx_b[2], isem_b[2])
    pltpu.async_copy(idx_hbm.at[base + 3], idx_b[3], isem_b[3])
    pltpu.make_async_copy(pos_hbm, pos_v, psem).wait()

    def group_body(i, carry):
        for p in range(NBUF):
            j = NBUF * i + p
            pf = p
            g2 = (p + 2) % NBUF

            @pl.when(j >= 2)
            def _():
                wait_store(g2)

            @pl.when(j + 2 < N)
            def _():
                wait_idx(g2)
                start_gathers(g2)

            for h in range(SUBS):
                wait_gather_half(p, h)
                if h == 0:
                    add_pos_rows(p, 0, STORE_LO)
                    store_rows(p, j, 0, STORE_LO)
                else:
                    @pl.when(j + NBUF < N)
                    def _():
                        pltpu.async_copy(
                            idx_hbm.at[base + j + NBUF], idx_b[pf], isem_b[pf]
                        )

                    add_pos_rows(p, STORE_LO, STORE_HI)
                    store_rows(p, j, STORE_LO, STORE_HI)
        return carry

    lax.fori_loop(0, N // NBUF, group_body, 0, unroll=False)
    wait_store((N - 2) % NBUF)
    wait_store((N - 1) % NBUF)


@functools.partial(jax.jit, static_argnames=())
def kernel(inputs, token_table, pos_table):
    idx = inputs.reshape(BATCH, SUBS, SUBGATHER).astype(jnp.int32)
    mesh = plsc.VectorSubcoreMesh(core_axis_name="c", subcore_axis_name="s")
    scratch = [pltpu.VMEM((MAXLEN, EMBED_DIM), jnp.float32)]
    scratch += [pltpu.VMEM((SUBS, SUBGATHER), jnp.int32)] * NBUF
    scratch += [pltpu.VMEM((MAXLEN, EMBED_DIM), jnp.float32)] * NBUF
    scratch += [pltpu.SemaphoreType.DMA] * NBUF
    scratch += [pltpu.SemaphoreType.DMA] * (2 * NBUF)
    scratch += [pltpu.SemaphoreType.DMA] * NBUF
    scratch += [pltpu.SemaphoreType.DMA]
    out = pl.kernel(
        _emb_kernel,
        mesh=mesh,
        out_type=jax.ShapeDtypeStruct((BATCH * MAXLEN, EMBED_DIM), jnp.float32),
        scratch_types=scratch,
    )(idx, token_table, pos_table)
    return out.reshape(BATCH, MAXLEN, EMBED_DIM)

# --- scband reference (transcript-rebuilt; emitter-appended) ---
"""Pipeline reference for scband-token-and-position-embedding-52587579572489 (READ-ONLY COPY).

The authoritative reference and input builder live on the scoring server;
editing this copy changes nothing except your own understanding.
"""

import jax, jax.numpy as jnp
import numpy as np

VOCAB_SIZE = 100000
EMBED_DIM = 128
MAXLEN = 200
BATCH = 1024


def setup_inputs(seed: int = 0) -> dict:
    key = jax.random.key(seed)
    k_idx, k_tok, k_pos = jax.random.split(key, 3)
    inputs = jax.random.randint(k_idx, (BATCH, MAXLEN), 0, VOCAB_SIZE, dtype=jnp.int64 if jax.config.jax_enable_x64 else jnp.int32)
    # Keras Embedding default initializer is uniform(-0.05, 0.05)
    token_table = jax.random.uniform(k_tok, (VOCAB_SIZE, EMBED_DIM), minval=-0.05, maxval=0.05, dtype=jnp.float32)
    pos_table = jax.random.uniform(k_pos, (MAXLEN, EMBED_DIM), minval=-0.05, maxval=0.05, dtype=jnp.float32)
    return {"inputs": inputs, "token_table": token_table, "pos_table": pos_table}


def reference(inputs, token_table, pos_table):
    # token embedding: gather rows of token_table
    token_emb = jnp.take(token_table, inputs, axis=0)  # [B, L, D]
    # position embedding: positions 0..L-1
    L = inputs.shape[-1]
    pos = jnp.arange(L)
    pos_emb = jnp.take(pos_table, pos, axis=0)  # [L, D]
    return token_emb + pos_emb[None, :, :]

if __name__ == "__main__":
    import jax
    _d = setup_inputs()
    print(jax.jit(kernel)(*tuple(_d.values())))

</pallas_src>

<mosaic_0001>
#map = affine_map<(d0, d1) -> (0, 0, 0)>
#map1 = affine_map<(d0, d1) -> (0, 0)>
module attributes {stable_mosaic.version = 14 : i64} {
  func.func @_emb_kernel(%arg0: i32, %arg1: i32, %arg2: memref<1024x2x100xi32, #tpu.memory_space<hbm>>, %arg3: memref<100000x128xf32, #tpu.memory_space<hbm>>, %arg4: memref<200x128xf32, #tpu.memory_space<hbm>>, %arg5: memref<204800x128xf32, #tpu.memory_space<hbm>>, %arg6: memref<200x128xf32, #tpu.memory_space<vmem>>, %arg7: memref<2x100xi32, #tpu.memory_space<vmem>>, %arg8: memref<2x100xi32, #tpu.memory_space<vmem>>, %arg9: memref<2x100xi32, #tpu.memory_space<vmem>>, %arg10: memref<2x100xi32, #tpu.memory_space<vmem>>, %arg11: memref<200x128xf32, #tpu.memory_space<vmem>>, %arg12: memref<200x128xf32, #tpu.memory_space<vmem>>, %arg13: memref<200x128xf32, #tpu.memory_space<vmem>>, %arg14: memref<200x128xf32, #tpu.memory_space<vmem>>, %arg15: memref<!tpu.dma_semaphore, #tpu.memory_space<semaphore_mem>>, %arg16: memref<!tpu.dma_semaphore, #tpu.memory_space<semaphore_mem>>, %arg17: memref<!tpu.dma_semaphore, #tpu.memory_space<semaphore_mem>>, %arg18: memref<!tpu.dma_semaphore, #tpu.memory_space<semaphore_mem>>, %arg19: memref<!tpu.dma_semaphore, #tpu.memory_space<semaphore_mem>>, %arg20: memref<!tpu.dma_semaphore, #tpu.memory_space<semaphore_mem>>, %arg21: memref<!tpu.dma_semaphore, #tpu.memory_space<semaphore_mem>>, %arg22: memref<!tpu.dma_semaphore, #tpu.memory_space<semaphore_mem>>, %arg23: memref<!tpu.dma_semaphore, #tpu.memory_space<semaphore_mem>>, %arg24: memref<!tpu.dma_semaphore, #tpu.memory_space<semaphore_mem>>, %arg25: memref<!tpu.dma_semaphore, #tpu.memory_space<semaphore_mem>>, %arg26: memref<!tpu.dma_semaphore, #tpu.memory_space<semaphore_mem>>, %arg27: memref<!tpu.dma_semaphore, #tpu.memory_space<semaphore_mem>>, %arg28: memref<!tpu.dma_semaphore, #tpu.memory_space<semaphore_mem>>, %arg29: memref<!tpu.dma_semaphore, #tpu.memory_space<semaphore_mem>>, %arg30: memref<!tpu.dma_semaphore, #tpu.memory_space<semaphore_mem>>, %arg31: memref<!tpu.dma_semaphore, #tpu.memory_space<semaphore_mem>>) attributes {dimension_semantics = [#tpu.dimension_semantics<core_parallel>, #tpu.dimension_semantics<subcore_parallel>], iteration_bounds = array<i64: 2, 16>, scalar_prefetch = 0 : i64, scratch_operands = 26 : i64, tpu.core_type = #tpu.core_type<sc_vector_subcore>, window_params = [{transform_indices = #map}, {transform_indices = #map1}, {transform_indices = #map1}, {transform_indices = #map1}]} {
    %mul3A = arith.constant 2 : i32
    %mul3A_0 = arith.muli %arg1, %mul3A : i32
    %add3A = arith.addi %mul3A_0, %arg0 : i32
    %mul3A_1 = arith.constant 32 : i32
    %mul3A_2 = arith.muli %add3A, %mul3A_1 : i32
    tpu.enqueue_dma source(%arg4 : memref<200x128xf32, #tpu.memory_space<hbm>>) target(%arg6 : memref<200x128xf32, #tpu.memory_space<vmem>>) target_semaphore(%arg31 : memref<!tpu.dma_semaphore, #tpu.memory_space<semaphore_mem>>)
    %dma_start3A = arith.constant 0 : i32
    %dma_start3A_3 = arith.constant 0 : i32
    %dma_start3A_4 = tpu.memref_slice %arg2[%mul3A_2, %dma_start3A, %dma_start3A_3] : memref<1024x2x100xi32, #tpu.memory_space<hbm>> -> memref<1x2x100xi32, #tpu.memory_space<hbm>>
    %dma_start3A_5 = tpu.memref_squeeze %dma_start3A_4 : memref<1x2x100xi32, #tpu.memory_space<hbm>> -> memref<2x100xi32, #tpu.memory_space<hbm>>
    %dma_start3A_6 = arith.constant 0 : i32
    %dma_start3A_7 = arith.constant 0 : i32
    %dma_start3A_8 = tpu.memref_slice %arg2[%mul3A_2, %dma_start3A_6, %dma_start3A_7] : memref<1024x2x100xi32, #tpu.memory_space<hbm>> -> memref<1x2x100xi32, #tpu.memory_space<hbm>>
    %dma_start3A_9 = tpu.memref_squeeze %dma_start3A_8 : memref<1x2x100xi32, #tpu.memory_space<hbm>> -> memref<2x100xi32, #tpu.memory_space<hbm>>
    tpu.enqueue_dma source(%dma_start3A_9 : memref<2x100xi32, #tpu.memory_space<hbm>>) target(%arg7 : memref<2x100xi32, #tpu.memory_space<vmem>>) target_semaphore(%arg15 : memref<!tpu.dma_semaphore, #tpu.memory_space<semaphore_mem>>)
    %add3A_10 = arith.constant 1 : i32
    %add3A_11 = arith.addi %mul3A_2, %add3A_10 : i32
    %dma_start3A_12 = arith.constant 0 : i32
    %dma_start3A_13 = arith.constant 0 : i32
    %dma_start3A_14 = tpu.memref_slice %arg2[%add3A_11, %dma_start3A_12, %dma_start3A_13] : memref<1024x2x100xi32, #tpu.memory_space<hbm>> -> memref<1x2x100xi32, #tpu.memory_space<hbm>>
    %dma_start3A_15 = tpu.memref_squeeze %dma_start3A_14 : memref<1x2x100xi32, #tpu.memory_space<hbm>> -> memref<2x100xi32, #tpu.memory_space<hbm>>
    %dma_start3A_16 = arith.constant 0 : i32
    %dma_start3A_17 = arith.constant 0 : i32
    %dma_start3A_18 = tpu.memref_slice %arg2[%add3A_11, %dma_start3A_16, %dma_start3A_17] : memref<1024x2x100xi32, #tpu.memory_space<hbm>> -> memref<1x2x100xi32, #tpu.memory_space<hbm>>
    %dma_start3A_19 = tpu.memref_squeeze %dma_start3A_18 : memref<1x2x100xi32, #tpu.memory_space<hbm>> -> memref<2x100xi32, #tpu.memory_space<hbm>>
    tpu.enqueue_dma source(%dma_start3A_19 : memref<2x100xi32, #tpu.memory_space<hbm>>) target(%arg8 : memref<2x100xi32, #tpu.memory_space<vmem>>) target_semaphore(%arg16 : memref<!tpu.dma_semaphore, #tpu.memory_space<semaphore_mem>>)
    %dma_wait3A = arith.constant 0 : i32
    %dma_wait3A_20 = arith.constant 0 : i32
    %dma_wait3A_21 = tpu.memref_slice %arg2[%mul3A_2, %dma_wait3A, %dma_wait3A_20] : memref<1024x2x100xi32, #tpu.memory_space<hbm>> -> memref<1x2x100xi32, #tpu.memory_space<hbm>>
    %dma_wait3A_22 = tpu.memref_squeeze %dma_wait3A_21 : memref<1x2x100xi32, #tpu.memory_space<hbm>> -> memref<2x100xi32, #tpu.memory_space<hbm>>
    %dma_wait3A_23 = arith.constant 0 : i32
    %dma_wait3A_24 = arith.constant 0 : i32
    %dma_wait3A_25 = tpu.memref_slice %arg2[%mul3A_2, %dma_wait3A_23, %dma_wait3A_24] : memref<1024x2x100xi32, #tpu.memory_space<hbm>> -> memref<1x2x100xi32, #tpu.memory_space<hbm>>
    %dma_wait3A_26 = tpu.memref_squeeze %dma_wait3A_25 : memref<1x2x100xi32, #tpu.memory_space<hbm>> -> memref<2x100xi32, #tpu.memory_space<hbm>>
    tpu.wait_dma2 semaphore(%arg15 : memref<!tpu.dma_semaphore, #tpu.memory_space<semaphore_mem>>) src(%dma_wait3A_26 : memref<2x100xi32, #tpu.memory_space<hbm>>) dst(%arg7 : memref<2x100xi32, #tpu.memory_space<vmem>>)
    %dma_start3A_27 = arith.constant 0 : i32
    %dma_start3A_28 = arith.constant 0 : i32
    %dma_start3A_29 = arith.constant 0 : i32
    %dma_start3A_30 = tpu.memref_slice %arg11[%dma_start3A_28, %dma_start3A_29] : memref<200x128xf32, #tpu.memory_space<vmem>> -> memref<100x128xf32, #tpu.memory_space<vmem>>
    %dma_start3A_31 = arith.constant 0 : i32
    %dma_start3A_32 = tpu.memref_slice %arg7[%dma_start3A_27, %dma_start3A_31] : memref<2x100xi32, #tpu.memory_space<vmem>> -> memref<1x100xi32, #tpu.memory_space<vmem>>
    %dma_start3A_33 = tpu.memref_squeeze %dma_start3A_32 : memref<1x100xi32, #tpu.memory_space<vmem>> -> memref<100xi32, #tpu.memory_space<vmem>>
    %dma_start3A_34 = arith.constant 0 : i32
    %dma_start3A_35 = arith.constant 0 : i32
    %dma_start3A_36 = tpu.memref_slice %arg3[%dma_start3A_34, %dma_start3A_35] : memref<100000x128xf32, #tpu.memory_space<hbm>> -> memref<100000x128xf32, #tpu.memory_space<hbm>>
    tpu.enqueue_indirect_dma source(%dma_start3A_36 : memref<100000x128xf32, #tpu.memory_space<hbm>>) target(%dma_start3A_30 : memref<100x128xf32, #tpu.memory_space<vmem>>) offsets(%dma_start3A_33 : memref<100xi32, #tpu.memory_space<vmem>>) semaphore(%arg19 : memref<!tpu.dma_semaphore, #tpu.memory_space<semaphore_mem>>)
    %dma_start3A_37 = arith.constant 1 : i32
    %dma_start3A_38 = arith.constant 100 : i32
    %dma_start3A_39 = arith.constant 0 : i32
    %dma_start3A_40 = tpu.memref_slice %arg11[%dma_start3A_38, %dma_start3A_39] : memref<200x128xf32, #tpu.memory_space<vmem>> -> memref<100x128xf32, #tpu.memory_space<vmem>>
    %dma_start3A_41 = arith.constant 0 : i32
    %dma_start3A_42 = tpu.memref_slice %arg7[%dma_start3A_37, %dma_start3A_41] : memref<2x100xi32, #tpu.memory_space<vmem>> -> memref<1x100xi32, #tpu.memory_space<vmem>>
    %dma_start3A_43 = tpu.memref_squeeze %dma_start3A_42 : memref<1x100xi32, #tpu.memory_space<vmem>> -> memref<100xi32, #tpu.memory_space<vmem>>
    %dma_start3A_44 = arith.constant 0 : i32
    %dma_start3A_45 = arith.constant 0 : i32
    %dma_start3A_46 = tpu.memref_slice %arg3[%dma_start3A_44, %dma_start3A_45] : memref<100000x128xf32, #tpu.memory_space<hbm>> -> memref<100000x128xf32, #tpu.memory_space<hbm>>
    tpu.enqueue_indirect_dma source(%dma_start3A_46 : memref<100000x128xf32, #tpu.memory_space<hbm>>) target(%dma_start3A_40 : memref<100x128xf32, #tpu.memory_space<vmem>>) offsets(%dma_start3A_43 : memref<100xi32, #tpu.memory_space<vmem>>) semaphore(%arg20 : memref<!tpu.dma_semaphore, #tpu.memory_space<semaphore_mem>>)
    %dma_wait3A_47 = arith.constant 0 : i32
    %dma_wait3A_48 = arith.constant 0 : i32
    %dma_wait3A_49 = tpu.memref_slice %arg2[%mul3A_2, %dma_wait3A_47, %dma_wait3A_48] : memref<1024x2x100xi32, #tpu.memory_space<hbm>> -> memref<1x2x100xi32, #tpu.memory_space<hbm>>
    %dma_wait3A_50 = tpu.memref_squeeze %dma_wait3A_49 : memref<1x2x100xi32, #tpu.memory_space<hbm>> -> memref<2x100xi32, #tpu.memory_space<hbm>>
    %dma_wait3A_51 = arith.constant 0 : i32
    %dma_wait3A_52 = arith.constant 0 : i32
    %dma_wait3A_53 = tpu.memref_slice %arg2[%mul3A_2, %dma_wait3A_51, %dma_wait3A_52] : memref<1024x2x100xi32, #tpu.memory_space<hbm>> -> memref<1x2x100xi32, #tpu.memory_space<hbm>>
    %dma_wait3A_54 = tpu.memref_squeeze %dma_wait3A_53 : memref<1x2x100xi32, #tpu.memory_space<hbm>> -> memref<2x100xi32, #tpu.memory_space<hbm>>
    tpu.wait_dma2 semaphore(%arg16 : memref<!tpu.dma_semaphore, #tpu.memory_space<semaphore_mem>>) src(%dma_wait3A_54 : memref<2x100xi32, #tpu.memory_space<hbm>>) dst(%arg8 : memref<2x100xi32, #tpu.memory_space<vmem>>)
    %dma_start3A_55 = arith.constant 0 : i32
    %dma_start3A_56 = arith.constant 0 : i32
    %dma_start3A_57 = arith.constant 0 : i32
    %dma_start3A_58 = tpu.memref_slice %arg12[%dma_start3A_56, %dma_start3A_57] : memref<200x128xf32, #tpu.memory_space<vmem>> -> memref<100x128xf32, #tpu.memory_space<vmem>>
    %dma_start3A_59 = arith.constant 0 : i32
    %dma_start3A_60 = tpu.memref_slice %arg8[%dma_start3A_55, %dma_start3A_59] : memref<2x100xi32, #tpu.memory_space<vmem>> -> memref<1x100xi32, #tpu.memory_space<vmem>>
    %dma_start3A_61 = tpu.memref_squeeze %dma_start3A_60 : memref<1x100xi32, #tpu.memory_space<vmem>> -> memref<100xi32, #tpu.memory_space<vmem>>
    %dma_start3A_62 = arith.constant 0 : i32
    %dma_start3A_63 = arith.constant 0 : i32
    %dma_start3A_64 = tpu.memref_slice %arg3[%dma_start3A_62, %dma_start3A_63] : memref<100000x128xf32, #tpu.memory_space<hbm>> -> memref<100000x128xf32, #tpu.memory_space<hbm>>
    tpu.enqueue_indirect_dma source(%dma_start3A_64 : memref<100000x128xf32, #tpu.memory_space<hbm>>) target(%dma_start3A_58 : memref<100x128xf32, #tpu.memory_space<vmem>>) offsets(%dma_start3A_61 : memref<100xi32, #tpu.memory_space<vmem>>) semaphore(%arg21 : memref<!tpu.dma_semaphore, #tpu.memory_space<semaphore_mem>>)
    %dma_start3A_65 = arith.constant 1 : i32
    %dma_start3A_66 = arith.constant 100 : i32
    %dma_start3A_67 = arith.constant 0 : i32
    %dma_start3A_68 = tpu.memref_slice %arg12[%dma_start3A_66, %dma_start3A_67] : memref<200x128xf32, #tpu.memory_space<vmem>> -> memref<100x128xf32, #tpu.memory_space<vmem>>
    %dma_start3A_69 = arith.constant 0 : i32
    %dma_start3A_70 = tpu.memref_slice %arg8[%dma_start3A_65, %dma_start3A_69] : memref<2x100xi32, #tpu.memory_space<vmem>> -> memref<1x100xi32, #tpu.memory_space<vmem>>
    %dma_start3A_71 = tpu.memref_squeeze %dma_start3A_70 : memref<1x100xi32, #tpu.memory_space<vmem>> -> memref<100xi32, #tpu.memory_space<vmem>>
    %dma_start3A_72 = arith.constant 0 : i32
    %dma_start3A_73 = arith.constant 0 : i32
    %dma_start3A_74 = tpu.memref_slice %arg3[%dma_start3A_72, %dma_start3A_73] : memref<100000x128xf32, #tpu.memory_space<hbm>> -> memref<100000x128xf32, #tpu.memory_space<hbm>>
    tpu.enqueue_indirect_dma source(%dma_start3A_74 : memref<100000x128xf32, #tpu.memory_space<hbm>>) target(%dma_start3A_68 : memref<100x128xf32, #tpu.memory_space<vmem>>) offsets(%dma_start3A_71 : memref<100xi32, #tpu.memory_space<vmem>>) semaphore(%arg22 : memref<!tpu.dma_semaphore, #tpu.memory_space<semaphore_mem>>)
    %add3A_75 = arith.constant 2 : i32
    %add3A_76 = arith.addi %mul3A_2, %add3A_75 : i32
    %dma_start3A_77 = arith.constant 0 : i32
    %dma_start3A_78 = arith.constant 0 : i32
    %dma_start3A_79 = tpu.memref_slice %arg2[%add3A_76, %dma_start3A_77, %dma_start3A_78] : memref<1024x2x100xi32, #tpu.memory_space<hbm>> -> memref<1x2x100xi32, #tpu.memory_space<hbm>>
    %dma_start3A_80 = tpu.memref_squeeze %dma_start3A_79 : memref<1x2x100xi32, #tpu.memory_space<hbm>> -> memref<2x100xi32, #tpu.memory_space<hbm>>
    %dma_start3A_81 = arith.constant 0 : i32
    %dma_start3A_82 = arith.constant 0 : i32
    %dma_start3A_83 = tpu.memref_slice %arg2[%add3A_76, %dma_start3A_81, %dma_start3A_82] : memref<1024x2x100xi32, #tpu.memory_space<hbm>> -> memref<1x2x100xi32, #tpu.memory_space<hbm>>
    %dma_start3A_84 = tpu.memref_squeeze %dma_start3A_83 : memref<1x2x100xi32, #tpu.memory_space<hbm>> -> memref<2x100xi32, #tpu.memory_space<hbm>>
    tpu.enqueue_dma source(%dma_start3A_84 : memref<2x100xi32, #tpu.memory_space<hbm>>) target(%arg9 : memref<2x100xi32, #tpu.memory_space<vmem>>) target_semaphore(%arg17 : memref<!tpu.dma_semaphore, #tpu.memory_space<semaphore_mem>>)
    %add3A_85 = arith.constant 3 : i32
    %add3A_86 = arith.addi %mul3A_2, %add3A_85 : i32
    %dma_start3A_87 = arith.constant 0 : i32
    %dma_start3A_88 = arith.constant 0 : i32
    %dma_start3A_89 = tpu.memref_slice %arg2[%add3A_86, %dma_start3A_87, %dma_start3A_88] : memref<1024x2x100xi32, #tpu.memory_space<hbm>> -> memref<1x2x100xi32, #tpu.memory_space<hbm>>
    %dma_start3A_90 = tpu.memref_squeeze %dma_start3A_89 : memref<1x2x100xi32, #tpu.memory_space<hbm>> -> memref<2x100xi32, #tpu.memory_space<hbm>>
    %dma_start3A_91 = arith.constant 0 : i32
    %dma_start3A_92 = arith.constant 0 : i32
    %dma_start3A_93 = tpu.memref_slice %arg2[%add3A_86, %dma_start3A_91, %dma_start3A_92] : memref<1024x2x100xi32, #tpu.memory_space<hbm>> -> memref<1x2x100xi32, #tpu.memory_space<hbm>>
    %dma_start3A_94 = tpu.memref_squeeze %dma_start3A_93 : memref<1x2x100xi32, #tpu.memory_space<hbm>> -> memref<2x100xi32, #tpu.memory_space<hbm>>
    tpu.enqueue_dma source(%dma_start3A_94 : memref<2x100xi32, #tpu.memory_space<hbm>>) target(%arg10 : memref<2x100xi32, #tpu.memory_space<vmem>>) target_semaphore(%arg18 : memref<!tpu.dma_semaphore, #tpu.memory_space<semaphore_mem>>)
    tpu.wait_dma2 semaphore(%arg31 : memref<!tpu.dma_semaphore, #tpu.memory_space<semaphore_mem>>) src(%arg4 : memref<200x128xf32, #tpu.memory_space<hbm>>) dst(%arg6 : memref<200x128xf32, #tpu.memory_space<vmem>>)
    %scan3A = arith.constant 0 : i32
    %scan3A_95 = arith.constant 0 : i32
    %scan3A_96 = arith.constant 8 : i32
    %scan3A_97 = arith.addi %scan3A_95, %scan3A_96 : i32
    %scan3A_98 = arith.constant 1 : i32
    scf.for %scan3A_112 = %scan3A_95 to %scan3A_97 step %scan3A_98  : i32 {
      %mul3A_113 = arith.constant 4 : i32
      %mul3A_114 = arith.muli %mul3A_113, %scan3A_112 : i32
      %add3A_115 = arith.constant 0 : i32
      %add3A_116 = arith.addi %mul3A_114, %add3A_115 : i32
      %ge3A = arith.constant 2 : i32
      %ge3A_117 = arith.cmpi sge, %add3A_116, %ge3A : i32
      %convert_element_type3A = arith.extui %ge3A_117 : i1 to i32
      %cond3A = arith.constant 0 : i32
      %cond3A_118 = arith.cmpi ne, %convert_element_type3A, %cond3A : i32
      scf.if %cond3A_118 {
        %dma_wait3A_449 = arith.constant 0 : i32
        %dma_wait3A_450 = arith.constant 0 : i32
        %dma_wait3A_451 = tpu.memref_slice %arg5[%dma_wait3A_449, %dma_wait3A_450] : memref<204800x128xf32, #tpu.memory_space<hbm>> -> memref<200x128xf32, #tpu.memory_space<hbm>>
        %dma_wait3A_452 = arith.constant 0 : i32
        %dma_wait3A_453 = arith.constant 0 : i32
        %dma_wait3A_454 = tpu.memref_slice %arg5[%dma_wait3A_452, %dma_wait3A_453] : memref<204800x128xf32, #tpu.memory_space<hbm>> -> memref<200x128xf32, #tpu.memory_space<hbm>>
        tpu.wait_dma2 semaphore(%arg29 : memref<!tpu.dma_semaphore, #tpu.memory_space<semaphore_mem>>) src(%arg13 : memref<200x128xf32, #tpu.memory_space<vmem>>) dst(%dma_wait3A_454 : memref<200x128xf32, #tpu.memory_space<hbm>>)
      } else {
      }
      %add3A_119 = arith.constant 2 : i32
      %add3A_120 = arith.addi %add3A_116, %add3A_119 : i32
      %lt3A = arith.constant 32 : i32
      %lt3A_121 = arith.cmpi slt, %add3A_120, %lt3A : i32
      %convert_element_type3A_122 = arith.extui %lt3A_121 : i1 to i32
      %cond3A_123 = arith.constant 0 : i32
      %cond3A_124 = arith.cmpi ne, %convert_element_type3A_122, %cond3A_123 : i32
      scf.if %cond3A_124 {
        %dma_wait3A_449 = arith.constant 0 : i32
        %dma_wait3A_450 = arith.constant 0 : i32
        %dma_wait3A_451 = tpu.memref_slice %arg2[%mul3A_2, %dma_wait3A_449, %dma_wait3A_450] : memref<1024x2x100xi32, #tpu.memory_space<hbm>> -> memref<1x2x100xi32, #tpu.memory_space<hbm>>
        %dma_wait3A_452 = tpu.memref_squeeze %dma_wait3A_451 : memref<1x2x100xi32, #tpu.memory_space<hbm>> -> memref<2x100xi32, #tpu.memory_space<hbm>>
        %dma_wait3A_453 = arith.constant 0 : i32
        %dma_wait3A_454 = arith.constant 0 : i32
        %dma_wait3A_455 = tpu.memref_slice %arg2[%mul3A_2, %dma_wait3A_453, %dma_wait3A_454] : memref<1024x2x100xi32, #tpu.memory_space<hbm>> -> memref<1x2x100xi32, #tpu.memory_space<hbm>>
        %dma_wait3A_456 = tpu.memref_squeeze %dma_wait3A_455 : memref<1x2x100xi32, #tpu.memory_space<hbm>> -> memref<2x100xi32, #tpu.memory_space<hbm>>
        tpu.wait_dma2 semaphore(%arg17 : memref<!tpu.dma_semaphore, #tpu.memory_space<semaphore_mem>>) src(%dma_wait3A_456 : memref<2x100xi32, #tpu.memory_space<hbm>>) dst(%arg9 : memref<2x100xi32, #tpu.memory_space<vmem>>)
        %dma_start3A_457 = arith.constant 0 : i32
        %dma_start3A_458 = arith.constant 0 : i32
        %dma_start3A_459 = arith.constant 0 : i32
        %dma_start3A_460 = tpu.memref_slice %arg13[%dma_start3A_458, %dma_start3A_459] : memref<200x128xf32, #tpu.memory_space<vmem>> -> memref<100x128xf32, #tpu.memory_space<vmem>>
        %dma_start3A_461 = arith.constant 0 : i32
        %dma_start3A_462 = tpu.memref_slice %arg9[%dma_start3A_457, %dma_start3A_461] : memref<2x100xi32, #tpu.memory_space<vmem>> -> memref<1x100xi32, #tpu.memory_space<vmem>>
        %dma_start3A_463 = tpu.memref_squeeze %dma_start3A_462 : memref<1x100xi32, #tpu.memory_space<vmem>> -> memref<100xi32, #tpu.memory_space<vmem>>
        %dma_start3A_464 = arith.constant 0 : i32
        %dma_start3A_465 = arith.constant 0 : i32
        %dma_start3A_466 = tpu.memref_slice %arg3[%dma_start3A_464, %dma_start3A_465] : memref<100000x128xf32, #tpu.memory_space<hbm>> -> memref<100000x128xf32, #tpu.memory_space<hbm>>
        tpu.enqueue_indirect_dma source(%dma_start3A_466 : memref<100000x128xf32, #tpu.memory_space<hbm>>) target(%dma_start3A_460 : memref<100x128xf32, #tpu.memory_space<vmem>>) offsets(%dma_start3A_463 : memref<100xi32, #tpu.memory_space<vmem>>) semaphore(%arg23 : memref<!tpu.dma_semaphore, #tpu.memory_space<semaphore_mem>>)
        %dma_start3A_467 = arith.constant 1 : i32
        %dma_start3A_468 = arith.constant 100 : i32
        %dma_start3A_469 = arith.constant 0 : i32
        %dma_start3A_470 = tpu.memref_slice %arg13[%dma_start3A_468, %dma_start3A_469] : memref<200x128xf32, #tpu.memory_space<vmem>> -> memref<100x128xf32, #tpu.memory_space<vmem>>
        %dma_start3A_471 = arith.constant 0 : i32
        %dma_start3A_472 = tpu.memref_slice %arg9[%dma_start3A_467, %dma_start3A_471] : memref<2x100xi32, #tpu.memory_space<vmem>> -> memref<1x100xi32, #tpu.memory_space<vmem>>
        %dma_start3A_473 = tpu.memref_squeeze %dma_start3A_472 : memref<1x100xi32, #tpu.memory_space<vmem>> -> memref<100xi32, #tpu.memory_space<vmem>>
        %dma_start3A_474 = arith.constant 0 : i32
        %dma_start3A_475 = arith.constant 0 : i32
        %dma_start3A_476 = tpu.memref_slice %arg3[%dma_start3A_474, %dma_start3A_475] : memref<100000x128xf32, #tpu.memory_space<hbm>> -> memref<100000x128xf32, #tpu.memory_space<hbm>>
        tpu.enqueue_indirect_dma source(%dma_start3A_476 : memref<100000x128xf32, #tpu.memory_space<hbm>>) target(%dma_start3A_470 : memref<100x128xf32, #tpu.memory_space<vmem>>) offsets(%dma_start3A_473 : memref<100xi32, #tpu.memory_space<vmem>>) semaphore(%arg24 : memref<!tpu.dma_semaphore, #tpu.memory_space<semaphore_mem>>)
      } else {
      }
      %dma_wait3A_125 = arith.constant 0 : i32
      %dma_wait3A_126 = arith.constant 0 : i32
      %dma_wait3A_127 = arith.constant 0 : i32
      %dma_wait3A_128 = tpu.memref_slice %arg11[%dma_wait3A_126, %dma_wait3A_127] : memref<200x128xf32, #tpu.memory_space<vmem>> -> memref<100x128xf32, #tpu.memory_space<vmem>>
      %dma_wait3A_129 = arith.constant 0 : i32
      %dma_wait3A_130 = tpu.memref_slice %arg7[%dma_wait3A_125, %dma_wait3A_129] : memref<2x100xi32, #tpu.memory_space<vmem>> -> memref<1x100xi32, #tpu.memory_space<vmem>>
      %dma_wait3A_131 = tpu.memref_squeeze %dma_wait3A_130 : memref<1x100xi32, #tpu.memory_space<vmem>> -> memref<100xi32, #tpu.memory_space<vmem>>
      %dma_wait3A_132 = arith.constant 0 : i32
      %dma_wait3A_133 = arith.constant 0 : i32
      %dma_wait3A_134 = tpu.memref_slice %arg3[%dma_wait3A_132, %dma_wait3A_133] : memref<100000x128xf32, #tpu.memory_space<hbm>> -> memref<100000x128xf32, #tpu.memory_space<hbm>>
      tpu.wait_indirect_dma semaphore(%arg19 : memref<!tpu.dma_semaphore, #tpu.memory_space<semaphore_mem>>) src(%dma_wait3A_134 : memref<100000x128xf32, #tpu.memory_space<hbm>>) dst(%dma_wait3A_128 : memref<100x128xf32, #tpu.memory_space<vmem>>)
      %scan3A_135 = arith.constant 0 : i32
      %scan3A_136 = arith.constant 0 : i32
      %scan3A_137 = arith.constant 96 : i32
      %scan3A_138 = arith.addi %scan3A_136, %scan3A_137 : i32
      %scan3A_139 = arith.constant 1 : i32
      scf.for %scan3A_449 = %scan3A_136 to %scan3A_138 step %scan3A_139  : i32 {
        %get3A = arith.index_cast %scan3A_449 : i32 to index
        %get3A_450 = arith.constant 0 : index
        %get3A_451 = tpu.vector_load %arg6[%get3A, %get3A_450] {strides = array<i32>} : memref<200x128xf32, #tpu.memory_space<vmem>>, vector<1x16xf32>,
        %get3A_452 = vector.shape_cast %get3A_451 : vector<1x16xf32> to vector<16xf32>
        %swap3A = arith.index_cast %scan3A_449 : i32 to index
        %swap3A_453 = arith.constant 0 : index
        %swap3A_454 = tpu.vector_load %arg11[%swap3A, %swap3A_453] {strides = array<i32>} : memref<200x128xf32, #tpu.memory_space<vmem>>, vector<1x16xf32>,
        %swap3A_455 = vector.shape_cast %swap3A_454 : vector<1x16xf32> to vector<16xf32>
        %swap3A_456 = vector.shape_cast %get3A_452 : vector<16xf32> to vector<1x16xf32>
        tpu.vector_store %arg11[%swap3A, %swap3A_453], %swap3A_456 {add = true, strides = array<i32>} : memref<200x128xf32, #tpu.memory_space<vmem>>, vector<1x16xf32>,
        %get3A_457 = arith.index_cast %scan3A_449 : i32 to index
        %get3A_458 = arith.constant 16 : index
        %get3A_459 = tpu.vector_load %arg6[%get3A_457, %get3A_458] {strides = array<i32>} : memref<200x128xf32, #tpu.memory_space<vmem>>, vector<1x16xf32>,
        %get3A_460 = vector.shape_cast %get3A_459 : vector<1x16xf32> to vector<16xf32>
        %swap3A_461 = arith.index_cast %scan3A_449 : i32 to index
        %swap3A_462 = arith.constant 16 : index
        %swap3A_463 = tpu.vector_load %arg11[%swap3A_461, %swap3A_462] {strides = array<i32>} : memref<200x128xf32, #tpu.memory_space<vmem>>, vector<1x16xf32>,
        %swap3A_464 = vector.shape_cast %swap3A_463 : vector<1x16xf32> to vector<16xf32>
        %swap3A_465 = vector.shape_cast %get3A_460 : vector<16xf32> to vector<1x16xf32>
        tpu.vector_store %arg11[%swap3A_461, %swap3A_462], %swap3A_465 {add = true, strides = array<i32>} : memref<200x128xf32, #tpu.memory_space<vmem>>, vector<1x16xf32>,
        %get3A_466 = arith.index_cast %scan3A_449 : i32 to index
        %get3A_467 = arith.constant 32 : index
        %get3A_468 = tpu.vector_load %arg6[%get3A_466, %get3A_467] {strides = array<i32>} : memref<200x128xf32, #tpu.memory_space<vmem>>, vector<1x16xf32>,
        %get3A_469 = vector.shape_cast %get3A_468 : vector<1x16xf32> to vector<16xf32>
        %swap3A_470 = arith.index_cast %scan3A_449 : i32 to index
        %swap3A_471 = arith.constant 32 : index
        %swap3A_472 = tpu.vector_load %arg11[%swap3A_470, %swap3A_471] {strides = array<i32>} : memref<200x128xf32, #tpu.memory_space<vmem>>, vector<1x16xf32>,
        %swap3A_473 = vector.shape_cast %swap3A_472 : vector<1x16xf32> to vector<16xf32>
        %swap3A_474 = vector.shape_cast %get3A_469 : vector<16xf32> to vector<1x16xf32>
        tpu.vector_store %arg11[%swap3A_470, %swap3A_471], %swap3A_474 {add = true, strides = array<i32>} : memref<200x128xf32, #tpu.memory_space<vmem>>, vector<1x16xf32>,
        %get3A_475 = arith.index_cast %scan3A_449 : i32 to index
        %get3A_476 = arith.constant 48 : index
        %get3A_477 = tpu.vector_load %arg6[%get3A_475, %get3A_476] {strides = array<i32>} : memref<200x128xf32, #tpu.memory_space<vmem>>, vector<1x16xf32>,
        %get3A_478 = vector.shape_cast %get3A_477 : vector<1x16xf32> to vector<16xf32>
        %swap3A_479 = arith.index_cast %scan3A_449 : i32 to index
        %swap3A_480 = arith.constant 48 : index
        %swap3A_481 = tpu.vector_load %arg11[%swap3A_479, %swap3A_480] {strides = array<i32>} : memref<200x128xf32, #tpu.memory_space<vmem>>, vector<1x16xf32>,
        %swap3A_482 = vector.shape_cast %swap3A_481 : vector<1x16xf32> to vector<16xf32>
        %swap3A_483 = vector.shape_cast %get3A_478 : vector<16xf32> to vector<1x16xf32>
        tpu.vector_store %arg11[%swap3A_479, %swap3A_480], %swap3A_483 {add = true, strides = array<i32>} : memref<200x128xf32, #tpu.memory_space<vmem>>, vector<1x16xf32>,
        %get3A_484 = arith.index_cast %scan3A_449 : i32 to index
        %get3A_485 = arith.constant 64 : index
        %get3A_486 = tpu.vector_load %arg6[%get3A_484, %get3A_485] {strides = array<i32>} : memref<200x128xf32, #tpu.memory_space<vmem>>, vector<1x16xf32>,
        %get3A_487 = vector.shape_cast %get3A_486 : vector<1x16xf32> to vector<16xf32>
        %swap3A_488 = arith.index_cast %scan3A_449 : i32 to index
        %swap3A_489 = arith.constant 64 : index
        %swap3A_490 = tpu.vector_load %arg11[%swap3A_488, %swap3A_489] {strides = array<i32>} : memref<200x128xf32, #tpu.memory_space<vmem>>, vector<1x16xf32>,
        %swap3A_491 = vector.shape_cast %swap3A_490 : vector<1x16xf32> to vector<16xf32>
        %swap3A_492 = vector.shape_cast %get3A_487 : vector<16xf32> to vector<1x16xf32>
        tpu.vector_store %arg11[%swap3A_488, %swap3A_489], %swap3A_492 {add = true, strides = array<i32>} : memref<200x128xf32, #tpu.memory_space<vmem>>, vector<1x16xf32>,
        %get3A_493 = arith.index_cast %scan3A_449 : i32 to index
        %get3A_494 = arith.constant 80 : index
        %get3A_495 = tpu.vector_load %arg6[%get3A_493, %get3A_494] {strides = array<i32>} : memref<200x128xf32, #tpu.memory_space<vmem>>, vector<1x16xf32>,
        %get3A_496 = vector.shape_cast %get3A_495 : vector<1x16xf32> to vector<16xf32>
        %swap3A_497 = arith.index_cast %scan3A_449 : i32 to index
        %swap3A_498 = arith.constant 80 : index
        %swap3A_499 = tpu.vector_load %arg11[%swap3A_497, %swap3A_498] {strides = array<i32>} : memref<200x128xf32, #tpu.memory_space<vmem>>, vector<1x16xf32>,
        %swap3A_500 = vector.shape_cast %swap3A_499 : vector<1x16xf32> to vector<16xf32>
        %swap3A_501 = vector.shape_cast %get3A_496 : vector<16xf32> to vector<1x16xf32>
        tpu.vector_store %arg11[%swap3A_497, %swap3A_498], %swap3A_501 {add = true, strides = array<i32>} : memref<200x128xf32, #tpu.memory_space<vmem>>, vector<1x16xf32>,
        %get3A_502 = arith.index_cast %scan3A_449 : i32 to index
        %get3A_503 = arith.constant 96 : index
        %get3A_504 = tpu.vector_load %arg6[%get3A_502, %get3A_503] {strides = array<i32>} : memref<200x128xf32, #tpu.memory_space<vmem>>, vector<1x16xf32>,
        %get3A_505 = vector.shape_cast %get3A_504 : vector<1x16xf32> to vector<16xf32>
        %swap3A_506 = arith.index_cast %scan3A_449 : i32 to index
        %swap3A_507 = arith.constant 96 : index
        %swap3A_508 = tpu.vector_load %arg11[%swap3A_506, %swap3A_507] {strides = array<i32>} : memref<200x128xf32, #tpu.memory_space<vmem>>, vector<1x16xf32>,
        %swap3A_509 = vector.shape_cast %swap3A_508 : vector<1x16xf32> to vector<16xf32>
        %swap3A_510 = vector.shape_cast %get3A_505 : vector<16xf32> to vector<1x16xf32>
        tpu.vector_store %arg11[%swap3A_506, %swap3A_507], %swap3A_510 {add = true, strides = array<i32>} : memref<200x128xf32, #tpu.memory_space<vmem>>, vector<1x16xf32>,
        %get3A_511 = arith.index_cast %scan3A_449 : i32 to index
        %get3A_512 = arith.constant 112 : index
        %get3A_513 = tpu.vector_load %arg6[%get3A_511, %get3A_512] {strides = array<i32>} : memref<200x128xf32, #tpu.memory_space<vmem>>, vector<1x16xf32>,
        %get3A_514 = vector.shape_cast %get3A_513 : vector<1x16xf32> to vector<16xf32>
        %swap3A_515 = arith.index_cast %scan3A_449 : i32 to index
        %swap3A_516 = arith.constant 112 : index
        %swap3A_517 = tpu.vector_load %arg11[%swap3A_515, %swap3A_516] {strides = array<i32>} : memref<200x128xf32, #tpu.memory_space<vmem>>, vector<1x16xf32>,
        %swap3A_518 = vector.shape_cast %swap3A_517 : vector<1x16xf32> to vector<16xf32>
        %swap3A_519 = vector.shape_cast %get3A_514 : vector<16xf32> to vector<1x16xf32>
        tpu.vector_store %arg11[%swap3A_515, %swap3A_516], %swap3A_519 {add = true, strides = array<i32>} : memref<200x128xf32, #tpu.memory_space<vmem>>, vector<1x16xf32>,
      }
      %scan3A_140 = arith.constant 96 : i32
      %add3A_141 = arith.addi %mul3A_2, %add3A_116 : i32
      %mul3A_142 = arith.constant 200 : i32
      %mul3A_143 = arith.muli %add3A_141, %mul3A_142 : i32
      %add3A_144 = arith.constant 0 : i32
      %add3A_145 = arith.addi %mul3A_143, %add3A_144 : i32
      %dma_start3A_146 = arith.constant 0 : i32
      %dma_start3A_147 = arith.constant 0 : i32
      %dma_start3A_148 = tpu.memref_slice %arg11[%dma_start3A_146, %dma_start3A_147] : memref<200x128xf32, #tpu.memory_space<vmem>> -> memref<96x128xf32, #tpu.memory_space<vmem>>
      %dma_start3A_149 = arith.constant 0 : i32
      %dma_start3A_150 = tpu.memref_slice %arg5[%add3A_145, %dma_start3A_149] : memref<204800x128xf32, #tpu.memory_space<hbm>> -> memref<96x128xf32, #tpu.memory_space<hbm>>
      %dma_start3A_151 = arith.constant 0 : i32
      %dma_start3A_152 = tpu.memref_slice %arg5[%add3A_145, %dma_start3A_151] : memref<204800x128xf32, #tpu.memory_space<hbm>> -> memref<96x128xf32, #tpu.memory_space<hbm>>
      %dma_start3A_153 = arith.constant 0 : i32
      %dma_start3A_154 = arith.constant 0 : i32
      %dma_start3A_155 = tpu.memref_slice %arg11[%dma_start3A_153, %dma_start3A_154] : memref<200x128xf32, #tpu.memory_space<vmem>> -> memref<96x128xf32, #tpu.memory_space<vmem>>
      tpu.enqueue_dma source(%dma_start3A_155 : memref<96x128xf32, #tpu.memory_space<vmem>>) target(%dma_start3A_152 : memref<96x128xf32, #tpu.memory_space<hbm>>) target_semaphore(%arg27 : memref<!tpu.dma_semaphore, #tpu.memory_space<semaphore_mem>>)
      %dma_wait3A_156 = arith.constant 1 : i32
      %dma_wait3A_157 = arith.constant 100 : i32
      %dma_wait3A_158 = arith.constant 0 : i32
      %dma_wait3A_159 = tpu.memref_slice %arg11[%dma_wait3A_157, %dma_wait3A_158] : memref<200x128xf32, #tpu.memory_space<vmem>> -> memref<100x128xf32, #tpu.memory_space<vmem>>
      %dma_wait3A_160 = arith.constant 0 : i32
      %dma_wait3A_161 = tpu.memref_slice %arg7[%dma_wait3A_156, %dma_wait3A_160] : memref<2x100xi32, #tpu.memory_space<vmem>> -> memref<1x100xi32, #tpu.memory_space<vmem>>
      %dma_wait3A_162 = tpu.memref_squeeze %dma_wait3A_161 : memref<1x100xi32, #tpu.memory_space<vmem>> -> memref<100xi32, #tpu.memory_space<vmem>>
      %dma_wait3A_163 = arith.constant 0 : i32
      %dma_wait3A_164 = arith.constant 0 : i32
      %dma_wait3A_165 = tpu.memref_slice %arg3[%dma_wait3A_163, %dma_wait3A_164] : memref<100000x128xf32, #tpu.memory_space<hbm>> -> memref<100000x128xf32, #tpu.memory_space<hbm>>
      tpu.wait_indirect_dma semaphore(%arg20 : memref<!tpu.dma_semaphore, #tpu.memory_space<semaphore_mem>>) src(%dma_wait3A_165 : memref<100000x128xf32, #tpu.memory_space<hbm>>) dst(%dma_wait3A_159 : memref<100x128xf32, #tpu.memory_space<vmem>>)
      %add3A_166 = arith.constant 4 : i32
      %add3A_167 = arith.addi %add3A_116, %add3A_166 : i32
      %lt3A_168 = arith.constant 32 : i32
      %lt3A_169 = arith.cmpi slt, %add3A_167, %lt3A_168 : i32
      %convert_element_type3A_170 = arith.extui %lt3A_169 : i1 to i32
      %cond3A_171 = arith.constant 0 : i32
      %cond3A_172 = arith.cmpi ne, %convert_element_type3A_170, %cond3A_171 : i32
      scf.if %cond3A_172 {
        %add3A_449 = arith.addi %mul3A_2, %add3A_116 : i32
        %add3A_450 = arith.constant 4 : i32
        %add3A_451 = arith.addi %add3A_449, %add3A_450 : i32
        %dma_start3A_452 = arith.constant 0 : i32
        %dma_start3A_453 = arith.constant 0 : i32
        %dma_start3A_454 = tpu.memref_slice %arg2[%add3A_451, %dma_start3A_452, %dma_start3A_453] : memref<1024x2x100xi32, #tpu.memory_space<hbm>> -> memref<1x2x100xi32, #tpu.memory_space<hbm>>
        %dma_start3A_455 = tpu.memref_squeeze %dma_start3A_454 : memref<1x2x100xi32, #tpu.memory_space<hbm>> -> memref<2x100xi32, #tpu.memory_space<hbm>>
        %dma_start3A_456 = arith.constant 0 : i32
        %dma_start3A_457 = arith.constant 0 : i32
        %dma_start3A_458 = tpu.memref_slice %arg2[%add3A_451, %dma_start3A_456, %dma_start3A_457] : memref<1024x2x100xi32, #tpu.memory_space<hbm>> -> memref<1x2x100xi32, #tpu.memory_space<hbm>>
        %dma_start3A_459 = tpu.memref_squeeze %dma_start3A_458 : memref<1x2x100xi32, #tpu.memory_space<hbm>> -> memref<2x100xi32, #tpu.memory_space<hbm>>
        tpu.enqueue_dma source(%dma_start3A_459 : memref<2x100xi32, #tpu.memory_space<hbm>>) target(%arg7 : memref<2x100xi32, #tpu.memory_space<vmem>>) target_semaphore(%arg15 : memref<!tpu.dma_semaphore, #tpu.memory_space<semaphore_mem>>)
      } else {
      }
      %scan3A_173 = arith.constant 0 : i32
      %scan3A_174 = arith.constant 96 : i32
      %scan3A_175 = arith.constant 104 : i32
      %scan3A_176 = arith.addi %scan3A_174, %scan3A_175 : i32
      %scan3A_177 = arith.constant 1 : i32
      scf.for %scan3A_449 = %scan3A_174 to %scan3A_176 step %scan3A_177  : i32 {
        %get3A = arith.index_cast %scan3A_449 : i32 to index
        %get3A_450 = arith.constant 0 : index
        %get3A_451 = tpu.vector_load %arg6[%get3A, %get3A_450] {strides = array<i32>} : memref<200x128xf32, #tpu.memory_space<vmem>>, vector<1x16xf32>,
        %get3A_452 = vector.shape_cast %get3A_451 : vector<1x16xf32> to vector<16xf32>
        %swap3A = arith.index_cast %scan3A_449 : i32 to index
        %swap3A_453 = arith.constant 0 : index
        %swap3A_454 = tpu.vector_load %arg11[%swap3A, %swap3A_453] {strides = array<i32>} : memref<200x128xf32, #tpu.memory_space<vmem>>, vector<1x16xf32>,
        %swap3A_455 = vector.shape_cast %swap3A_454 : vector<1x16xf32> to vector<16xf32>
        %swap3A_456 = vector.shape_cast %get3A_452 : vector<16xf32> to vector<1x16xf32>
        tpu.vector_store %arg11[%swap3A, %swap3A_453], %swap3A_456 {add = true, strides = array<i32>} : memref<200x128xf32, #tpu.memory_space<vmem>>, vector<1x16xf32>,
        %get3A_457 = arith.index_cast %scan3A_449 : i32 to index
        %get3A_458 = arith.constant 16 : index
        %get3A_459 = tpu.vector_load %arg6[%get3A_457, %get3A_458] {strides = array<i32>} : memref<200x128xf32, #tpu.memory_space<vmem>>, vector<1x16xf32>,
        %get3A_460 = vector.shape_cast %get3A_459 : vector<1x16xf32> to vector<16xf32>
        %swap3A_461 = arith.index_cast %scan3A_449 : i32 to index
        %swap3A_462 = arith.constant 16 : index
        %swap3A_463 = tpu.vector_load %arg11[%swap3A_461, %swap3A_462] {strides = array<i32>} : memref<200x128xf32, #tpu.memory_space<vmem>>, vector<1x16xf32>,
        %swap3A_464 = vector.shape_cast %swap3A_463 : vector<1x16xf32> to vector<16xf32>
        %swap3A_465 = vector.shape_cast %get3A_460 : vector<16xf32> to vector<1x16xf32>
        tpu.vector_store %arg11[%swap3A_461, %swap3A_462], %swap3A_465 {add = true, strides = array<i32>} : memref<200x128xf32, #tpu.memory_space<vmem>>, vector<1x16xf32>,
        %get3A_466 = arith.index_cast %scan3A_449 : i32 to index
        %get3A_467 = arith.constant 32 : index
        %get3A_468 = tpu.vector_load %arg6[%get3A_466, %get3A_467] {strides = array<i32>} : memref<200x128xf32, #tpu.memory_space<vmem>>, vector<1x16xf32>,
        %get3A_469 = vector.shape_cast %get3A_468 : vector<1x16xf32> to vector<16xf32>
        %swap3A_470 = arith.index_cast %scan3A_449 : i32 to index
        %swap3A_471 = arith.constant 32 : index
        %swap3A_472 = tpu.vector_load %arg11[%swap3A_470, %swap3A_471] {strides = array<i32>} : memref<200x128xf32, #tpu.memory_space<vmem>>, vector<1x16xf32>,
        %swap3A_473 = vector.shape_cast %swap3A_472 : vector<1x16xf32> to vector<16xf32>
        %swap3A_474 = vector.shape_cast %get3A_469 : vector<16xf32> to vector<1x16xf32>
        tpu.vector_store %arg11[%swap3A_470, %swap3A_471], %swap3A_474 {add = true, strides = array<i32>} : memref<200x128xf32, #tpu.memory_space<vmem>>, vector<1x16xf32>,
        %get3A_475 = arith.index_cast %scan3A_449 : i32 to index
        %get3A_476 = arith.constant 48 : index
        %get3A_477 = tpu.vector_load %arg6[%get3A_475, %get3A_476] {strides = array<i32>} : memref<200x128xf32, #tpu.memory_space<vmem>>, vector<1x16xf32>,
        %get3A_478 = vector.shape_cast %get3A_477 : vector<1x16xf32> to vector<16xf32>
        %swap3A_479 = arith.index_cast %scan3A_449 : i32 to index
        %swap3A_480 = arith.constant 48 : index
        %swap3A_481 = tpu.vector_load %arg11[%swap3A_479, %swap3A_480] {strides = array<i32>} : memref<200x128xf32, #tpu.memory_space<vmem>>, vector<1x16xf32>,
        %swap3A_482 = vector.shape_cast %swap3A_481 : vector<1x16xf32> to vector<16xf32>
        %swap3A_483 = vector.shape_cast %get3A_478 : vector<16xf32> to vector<1x16xf32>
        tpu.vector_store %arg11[%swap3A_479, %swap3A_480], %swap3A_483 {add = true, strides = array<i32>} : memref<200x128xf32, #tpu.memory_space<vmem>>, vector<1x16xf32>,
        %get3A_484 = arith.index_cast %scan3A_449 : i32 to index
        %get3A_485 = arith.constant 64 : index
        %get3A_486 = tpu.vector_load %arg6[%get3A_484, %get3A_485] {strides = array<i32>} : memref<200x128xf32, #tpu.memory_space<vmem>>, vector<1x16xf32>,
        %get3A_487 = vector.shape_cast %get3A_486 : vector<1x16xf32> to vector<16xf32>
        %swap3A_488 = arith.index_cast %scan3A_449 : i32 to index
        %swap3A_489 = arith.constant 64 : index
        %swap3A_490 = tpu.vector_load %arg11[%swap3A_488, %swap3A_489] {strides = array<i32>} : memref<200x128xf32, #tpu.memory_space<vmem>>, vector<1x16xf32>,
        %swap3A_491 = vector.shape_cast %swap3A_490 : vector<1x16xf32> to vector<16xf32>
        %swap3A_492 = vector.shape_cast %get3A_487 : vector<16xf32> to vector<1x16xf32>
        tpu.vector_store %arg11[%swap3A_488, %swap3A_489], %swap3A_492 {add = true, strides = array<i32>} : memref<200x128xf32, #tpu.memory_space<vmem>>, vector<1x16xf32>,
        %get3A_493 = arith.index_cast %scan3A_449 : i32 to index
        %get3A_494 = arith.constant 80 : index
        %get3A_495 = tpu.vector_load %arg6[%get3A_493, %get3A_494] {strides = array<i32>} : memref<200x128xf32, #tpu.memory_space<vmem>>, vector<1x16xf32>,
        %get3A_496 = vector.shape_cast %get3A_495 : vector<1x16xf32> to vector<16xf32>
        %swap3A_497 = arith.index_cast %scan3A_449 : i32 to index
        %swap3A_498 = arith.constant 80 : index
        %swap3A_499 = tpu.vector_load %arg11[%swap3A_497, %swap3A_498] {strides = array<i32>} : memref<200x128xf32, #tpu.memory_space<vmem>>, vector<1x16xf32>,
        %swap3A_500 = vector.shape_cast %swap3A_499 : vector<1x16xf32> to vector<16xf32>
        %swap3A_501 = vector.shape_cast %get3A_496 : vector<16xf32> to vector<1x16xf32>
        tpu.vector_store %arg11[%swap3A_497, %swap3A_498], %swap3A_501 {add = true, strides = array<i32>} : memref<200x128xf32, #tpu.memory_space<vmem>>, vector<1x16xf32>,
        %get3A_502 = arith.index_cast %scan3A_449 : i32 to index
        %get3A_503 = arith.constant 96 : index
        %get3A_504 = tpu.vector_load %arg6[%get3A_502, %get3A_503] {strides = array<i32>} : memref<200x128xf32, #tpu.memory_space<vmem>>, vector<1x16xf32>,
        %get3A_505 = vector.shape_cast %get3A_504 : vector<1x16xf32> to vector<16xf32>
        %swap3A_506 = arith.index_cast %scan3A_449 : i32 to index
        %swap3A_507 = arith.constant 96 : index
        %swap3A_508 = tpu.vector_load %arg11[%swap3A_506, %swap3A_507] {strides = array<i32>} : memref<200x128xf32, #tpu.memory_space<vmem>>, vector<1x16xf32>,
        %swap3A_509 = vector.shape_cast %swap3A_508 : vector<1x16xf32> to vector<16xf32>
        %swap3A_510 = vector.shape_cast %get3A_505 : vector<16xf32> to vector<1x16xf32>
        tpu.vector_store %arg11[%swap3A_506, %swap3A_507], %swap3A_510 {add = true, strides = array<i32>} : memref<200x128xf32, #tpu.memory_space<vmem>>, vector<1x16xf32>,
        %get3A_511 = arith.index_cast %scan3A_449 : i32 to index
        %get3A_512 = arith.constant 112 : index
        %get3A_513 = tpu.vector_load %arg6[%get3A_511, %get3A_512] {strides = array<i32>} : memref<200x128xf32, #tpu.memory_space<vmem>>, vector<1x16xf32>,
        %get3A_514 = vector.shape_cast %get3A_513 : vector<1x16xf32> to vector<16xf32>
        %swap3A_515 = arith.index_cast %scan3A_449 : i32 to index
        %swap3A_516 = arith.constant 112 : index
        %swap3A_517 = tpu.vector_load %arg11[%swap3A_515, %swap3A_516] {strides = array<i32>} : memref<200x128xf32, #tpu.memory_space<vmem>>, vector<1x16xf32>,
        %swap3A_518 = vector.shape_cast %swap3A_517 : vector<1x16xf32> to vector<16xf32>
        %swap3A_519 = vector.shape_cast %get3A_514 : vector<16xf32> to vector<1x16xf32>
        tpu.vector_store %arg11[%swap3A_515, %swap3A_516], %swap3A_519 {add = true, strides = array<i32>} : memref<200x128xf32, #tpu.memory_space<vmem>>, vector<1x16xf32>,
      }
      %scan3A_178 = arith.constant 104 : i32
      %add3A_179 = arith.addi %mul3A_2, %add3A_116 : i32
      %mul3A_180 = arith.constant 200 : i32
      %mul3A_181 = arith.muli %add3A_179, %mul3A_180 : i32
      %add3A_182 = arith.constant 96 : i32
      %add3A_183 = arith.addi %mul3A_181, %add3A_182 : i32
      %dma_start3A_184 = arith.constant 96 : i32
      %dma_start3A_185 = arith.constant 0 : i32
      %dma_start3A_186 = tpu.memref_slice %arg11[%dma_start3A_184, %dma_start3A_185] : memref<200x128xf32, #tpu.memory_space<vmem>> -> memref<104x128xf32, #tpu.memory_space<vmem>>
      %dma_start3A_187 = arith.constant 0 : i32
      %dma_start3A_188 = tpu.memref_slice %arg5[%add3A_183, %dma_start3A_187] : memref<204800x128xf32, #tpu.memory_space<hbm>> -> memref<104x128xf32, #tpu.memory_space<hbm>>
      %dma_start3A_189 = arith.constant 0 : i32
      %dma_start3A_190 = tpu.memref_slice %arg5[%add3A_183, %dma_start3A_189] : memref<204800x128xf32, #tpu.memory_space<hbm>> -> memref<104x128xf32, #tpu.memory_space<hbm>>
      %dma_start3A_191 = arith.constant 96 : i32
      %dma_start3A_192 = arith.constant 0 : i32
      %dma_start3A_193 = tpu.memref_slice %arg11[%dma_start3A_191, %dma_start3A_192] : memref<200x128xf32, #tpu.memory_space<vmem>> -> memref<104x128xf32, #tpu.memory_space<vmem>>
      tpu.enqueue_dma source(%dma_start3A_193 : memref<104x128xf32, #tpu.memory_space<vmem>>) target(%dma_start3A_190 : memref<104x128xf32, #tpu.memory_space<hbm>>) target_semaphore(%arg27 : memref<!tpu.dma_semaphore, #tpu.memory_space<semaphore_mem>>)
      %mul3A_194 = arith.constant 4 : i32
      %mul3A_195 = arith.muli %mul3A_194, %scan3A_112 : i32
      %add3A_196 = arith.constant 1 : i32
      %add3A_197 = arith.addi %mul3A_195, %add3A_196 : i32
      %ge3A_198 = arith.constant 2 : i32
      %ge3A_199 = arith.cmpi sge, %add3A_197, %ge3A_198 : i32
      %convert_element_type3A_200 = arith.extui %ge3A_199 : i1 to i32
      %cond3A_201 = arith.constant 0 : i32
      %cond3A_202 = arith.cmpi ne, %convert_element_type3A_200, %cond3A_201 : i32
      scf.if %cond3A_202 {
        %dma_wait3A_449 = arith.constant 0 : i32
        %dma_wait3A_450 = arith.constant 0 : i32
        %dma_wait3A_451 = tpu.memref_slice %arg5[%dma_wait3A_449, %dma_wait3A_450] : memref<204800x128xf32, #tpu.memory_space<hbm>> -> memref<200x128xf32, #tpu.memory_space<hbm>>
        %dma_wait3A_452 = arith.constant 0 : i32
        %dma_wait3A_453 = arith.constant 0 : i32
        %dma_wait3A_454 = tpu.memref_slice %arg5[%dma_wait3A_452, %dma_wait3A_453] : memref<204800x128xf32, #tpu.memory_space<hbm>> -> memref<200x128xf32, #tpu.memory_space<hbm>>
        tpu.wait_dma2 semaphore(%arg30 : memref<!tpu.dma_semaphore, #tpu.memory_space<semaphore_mem>>) src(%arg14 : memref<200x128xf32, #tpu.memory_space<vmem>>) dst(%dma_wait3A_454 : memref<200x128xf32, #tpu.memory_space<hbm>>)
      } else {
      }
      %add3A_203 = arith.constant 2 : i32
      %add3A_204 = arith.addi %add3A_197, %add3A_203 : i32
      %lt3A_205 = arith.constant 32 : i32
      %lt3A_206 = arith.cmpi slt, %add3A_204, %lt3A_205 : i32
      %convert_element_type3A_207 = arith.extui %lt3A_206 : i1 to i32
      %cond3A_208 = arith.constant 0 : i32
      %cond3A_209 = arith.cmpi ne, %convert_element_type3A_207, %cond3A_208 : i32
      scf.if %cond3A_209 {
        %dma_wait3A_449 = arith.constant 0 : i32
        %dma_wait3A_450 = arith.constant 0 : i32
        %dma_wait3A_451 = tpu.memref_slice %arg2[%mul3A_2, %dma_wait3A_449, %dma_wait3A_450] : memref<1024x2x100xi32, #tpu.memory_space<hbm>> -> memref<1x2x100xi32, #tpu.memory_space<hbm>>
        %dma_wait3A_452 = tpu.memref_squeeze %dma_wait3A_451 : memref<1x2x100xi32, #tpu.memory_space<hbm>> -> memref<2x100xi32, #tpu.memory_space<hbm>>
        %dma_wait3A_453 = arith.constant 0 : i32
        %dma_wait3A_454 = arith.constant 0 : i32
        %dma_wait3A_455 = tpu.memref_slice %arg2[%mul3A_2, %dma_wait3A_453, %dma_wait3A_454] : memref<1024x2x100xi32, #tpu.memory_space<hbm>> -> memref<1x2x100xi32, #tpu.memory_space<hbm>>
        %dma_wait3A_456 = tpu.memref_squeeze %dma_wait3A_455 : memref<1x2x100xi32, #tpu.memory_space<hbm>> -> memref<2x100xi32, #tpu.memory_space<hbm>>
        tpu.wait_dma2 semaphore(%arg18 : memref<!tpu.dma_semaphore, #tpu.memory_space<semaphore_mem>>) src(%dma_wait3A_456 : memref<2x100xi32, #tpu.memory_space<hbm>>) dst(%arg10 : memref<2x100xi32, #tpu.memory_space<vmem>>)
        %dma_start3A_457 = arith.constant 0 : i32
        %dma_start3A_458 = arith.constant 0 : i32
        %dma_start3A_459 = arith.constant 0 : i32
        %dma_start3A_460 = tpu.memref_slice %arg14[%dma_start3A_458, %dma_start3A_459] : memref<200x128xf32, #tpu.memory_space<vmem>> -> memref<100x128xf32, #tpu.memory_space<vmem>>
        %dma_start3A_461 = arith.constant 0 : i32
        %dma_start3A_462 = tpu.memref_slice %arg10[%dma_start3A_457, %dma_start3A_461] : memref<2x100xi32, #tpu.memory_space<vmem>> -> memref<1x100xi32, #tpu.memory_space<vmem>>
        %dma_start3A_463 = tpu.memref_squeeze %dma_start3A_462 : memref<1x100xi32, #tpu.memory_space<vmem>> -> memref<100xi32, #tpu.memory_space<vmem>>
        %dma_start3A_464 = arith.constant 0 : i32
        %dma_start3A_465 = arith.constant 0 : i32
        %dma_start3A_466 = tpu.memref_slice %arg3[%dma_start3A_464, %dma_start3A_465] : memref<100000x128xf32, #tpu.memory_space<hbm>> -> memref<100000x128xf32, #tpu.memory_space<hbm>>
        tpu.enqueue_indirect_dma source(%dma_start3A_466 : memref<100000x128xf32, #tpu.memory_space<hbm>>) target(%dma_start3A_460 : memref<100x128xf32, #tpu.memory_space<vmem>>) offsets(%dma_start3A_463 : memref<100xi32, #tpu.memory_space<vmem>>) semaphore(%arg25 : memref<!tpu.dma_semaphore, #tpu.memory_space<semaphore_mem>>)
        %dma_start3A_467 = arith.constant 1 : i32
        %dma_start3A_468 = arith.constant 100 : i32
        %dma_start3A_469 = arith.constant 0 : i32
        %dma_start3A_470 = tpu.memref_slice %arg14[%dma_start3A_468, %dma_start3A_469] : memref<200x128xf32, #tpu.memory_space<vmem>> -> memref<100x128xf32, #tpu.memory_space<vmem>>
        %dma_start3A_471 = arith.constant 0 : i32
        %dma_start3A_472 = tpu.memref_slice %arg10[%dma_start3A_467, %dma_start3A_471] : memref<2x100xi32, #tpu.memory_space<vmem>> -> memref<1x100xi32, #tpu.memory_space<vmem>>
        %dma_start3A_473 = tpu.memref_squeeze %dma_start3A_472 : memref<1x100xi32, #tpu.memory_space<vmem>> -> memref<100xi32, #tpu.memory_space<vmem>>
        %dma_start3A_474 = arith.constant 0 : i32
        %dma_start3A_475 = arith.constant 0 : i32
        %dma_start3A_476 = tpu.memref_slice %arg3[%dma_start3A_474, %dma_start3A_475] : memref<100000x128xf32, #tpu.memory_space<hbm>> -> memref<100000x128xf32, #tpu.memory_space<hbm>>
        tpu.enqueue_indirect_dma source(%dma_start3A_476 : memref<100000x128xf32, #tpu.memory_space<hbm>>) target(%dma_start3A_470 : memref<100x128xf32, #tpu.memory_space<vmem>>) offsets(%dma_start3A_473 : memref<100xi32, #tpu.memory_space<vmem>>) semaphore(%arg26 : memref<!tpu.dma_semaphore, #tpu.memory_space<semaphore_mem>>)
      } else {
      }
      %dma_wait3A_210 = arith.constant 0 : i32
      %dma_wait3A_211 = arith.constant 0 : i32
      %dma_wait3A_212 = arith.constant 0 : i32
      %dma_wait3A_213 = tpu.memref_slice %arg12[%dma_wait3A_211, %dma_wait3A_212] : memref<200x128xf32, #tpu.memory_space<vmem>> -> memref<100x128xf32, #tpu.memory_space<vmem>>
      %dma_wait3A_214 = arith.constant 0 : i32
      %dma_wait3A_215 = tpu.memref_slice %arg8[%dma_wait3A_210, %dma_wait3A_214] : memref<2x100xi32, #tpu.memory_space<vmem>> -> memref<1x100xi32, #tpu.memory_space<vmem>>
      %dma_wait3A_216 = tpu.memref_squeeze %dma_wait3A_215 : memref<1x100xi32, #tpu.memory_space<vmem>> -> memref<100xi32, #tpu.memory_space<vmem>>
      %dma_wait3A_217 = arith.constant 0 : i32
      %dma_wait3A_218 = arith.constant 0 : i32
      %dma_wait3A_219 = tpu.memref_slice %arg3[%dma_wait3A_217, %dma_wait3A_218] : memref<100000x128xf32, #tpu.memory_space<hbm>> -> memref<100000x128xf32, #tpu.memory_space<hbm>>
      tpu.wait_indirect_dma semaphore(%arg21 : memref<!tpu.dma_semaphore, #tpu.memory_space<semaphore_mem>>) src(%dma_wait3A_219 : memref<100000x128xf32, #tpu.memory_space<hbm>>) dst(%dma_wait3A_213 : memref<100x128xf32, #tpu.memory_space<vmem>>)
      %scan3A_220 = arith.constant 0 : i32
      %scan3A_221 = arith.constant 0 : i32
      %scan3A_222 = arith.constant 96 : i32
      %scan3A_223 = arith.addi %scan3A_221, %scan3A_222 : i32
      %scan3A_224 = arith.constant 1 : i32
      scf.for %scan3A_449 = %scan3A_221 to %scan3A_223 step %scan3A_224  : i32 {
        %get3A = arith.index_cast %scan3A_449 : i32 to index
        %get3A_450 = arith.constant 0 : index
        %get3A_451 = tpu.vector_load %arg6[%get3A, %get3A_450] {strides = array<i32>} : memref<200x128xf32, #tpu.memory_space<vmem>>, vector<1x16xf32>,
        %get3A_452 = vector.shape_cast %get3A_451 : vector<1x16xf32> to vector<16xf32>
        %swap3A = arith.index_cast %scan3A_449 : i32 to index
        %swap3A_453 = arith.constant 0 : index
        %swap3A_454 = tpu.vector_load %arg12[%swap3A, %swap3A_453] {strides = array<i32>} : memref<200x128xf32, #tpu.memory_space<vmem>>, vector<1x16xf32>,
        %swap3A_455 = vector.shape_cast %swap3A_454 : vector<1x16xf32> to vector<16xf32>
        %swap3A_456 = vector.shape_cast %get3A_452 : vector<16xf32> to vector<1x16xf32>
        tpu.vector_store %arg12[%swap3A, %swap3A_453], %swap3A_456 {add = true, strides = array<i32>} : memref<200x128xf32, #tpu.memory_space<vmem>>, vector<1x16xf32>,
        %get3A_457 = arith.index_cast %scan3A_449 : i32 to index
        %get3A_458 = arith.constant 16 : index
        %get3A_459 = tpu.vector_load %arg6[%get3A_457, %get3A_458] {strides = array<i32>} : memref<200x128xf32, #tpu.memory_space<vmem>>, vector<1x16xf32>,
        %get3A_460 = vector.shape_cast %get3A_459 : vector<1x16xf32> to vector<16xf32>
        %swap3A_461 = arith.index_cast %scan3A_449 : i32 to index
        %swap3A_462 = arith.constant 16 : index
        %swap3A_463 = tpu.vector_load %arg12[%swap3A_461, %swap3A_462] {strides = array<i32>} : memref<200x128xf32, #tpu.memory_space<vmem>>, vector<1x16xf32>,
        %swap3A_464 = vector.shape_cast %swap3A_463 : vector<1x16xf32> to vector<16xf32>
        %swap3A_465 = vector.shape_cast %get3A_460 : vector<16xf32> to vector<1x16xf32>
        tpu.vector_store %arg12[%swap3A_461, %swap3A_462], %swap3A_465 {add = true, strides = array<i32>} : memref<200x128xf32, #tpu.memory_space<vmem>>, vector<1x16xf32>,
        %get3A_466 = arith.index_cast %scan3A_449 : i32 to index
        %get3A_467 = arith.constant 32 : index
        %get3A_468 = tpu.vector_load %arg6[%get3A_466, %get3A_467] {strides = array<i32>} : memref<200x128xf32, #tpu.memory_space<vmem>>, vector<1x16xf32>,
        %get3A_469 = vector.shape_cast %get3A_468 : vector<1x16xf32> to vector<16xf32>
        %swap3A_470 = arith.index_cast %scan3A_449 : i32 to index
        %swap3A_471 = arith.constant 32 : index
        %swap3A_472 = tpu.vector_load %arg12[%swap3A_470, %swap3A_471] {strides = array<i32>} : memref<200x128xf32, #tpu.memory_space<vmem>>, vector<1x16xf32>,
        %swap3A_473 = vector.shape_cast %swap3A_472 : vector<1x16xf32> to vector<16xf32>
        %swap3A_474 = vector.shape_cast %get3A_469 : vector<16xf32> to vector<1x16xf32>
        tpu.vector_store %arg12[%swap3A_470, %swap3A_471], %swap3A_474 {add = true, strides = array<i32>} : memref<200x128xf32, #tpu.memory_space<vmem>>, vector<1x16xf32>,
        %get3A_475 = arith.index_cast %scan3A_449 : i32 to index
        %get3A_476 = arith.constant 48 : index
        %get3A_477 = tpu.vector_load %arg6[%get3A_475, %get3A_476] {strides = array<i32>} : memref<200x128xf32, #tpu.memory_space<vmem>>, vector<1x16xf32>,
        %get3A_478 = vector.shape_cast %get3A_477 : vector<1x16xf32> to vector<16xf32>
        %swap3A_479 = arith.index_cast %scan3A_449 : i32 to index
        %swap3A_480 = arith.constant 48 : index
        %swap3A_481 = tpu.vector_load %arg12[%swap3A_479, %swap3A_480] {strides = array<i32>} : memref<200x128xf32, #tpu.memory_space<vmem>>, vector<1x16xf32>,
        %swap3A_482 = vector.shape_cast %swap3A_481 : vector<1x16xf32> to vector<16xf32>
        %swap3A_483 = vector.shape_cast %get3A_478 : vector<16xf32> to vector<1x16xf32>
        tpu.vector_store %arg12[%swap3A_479, %swap3A_480], %swap3A_483 {add = true, strides = array<i32>} : memref<200x128xf32, #tpu.memory_space<vmem>>, vector<1x16xf32>,
        %get3A_484 = arith.index_cast %scan3A_449 : i32 to index
        %get3A_485 = arith.constant 64 : index
        %get3A_486 = tpu.vector_load %arg6[%get3A_484, %get3A_485] {strides = array<i32>} : memref<200x128xf32, #tpu.memory_space<vmem>>, vector<1x16xf32>,
        %get3A_487 = vector.shape_cast %get3A_486 : vector<1x16xf32> to vector<16xf32>
        %swap3A_488 = arith.index_cast %scan3A_449 : i32 to index
        %swap3A_489 = arith.constant 64 : index
        %swap3A_490 = tpu.vector_load %arg12[%swap3A_488, %swap3A_489] {strides = array<i32>} : memref<200x128xf32, #tpu.memory_space<vmem>>, vector<1x16xf32>,
        %swap3A_491 = vector.shape_cast %swap3A_490 : vector<1x16xf32> to vector<16xf32>
        %swap3A_492 = vector.shape_cast %get3A_487 : vector<16xf32> to vector<1x16xf32>
        tpu.vector_store %arg12[%swap3A_488, %swap3A_489], %swap3A_492 {add = true, strides = array<i32>} : memref<200x128xf32, #tpu.memory_space<vmem>>, vector<1x16xf32>,
        %get3A_493 = arith.index_cast %scan3A_449 : i32 to index
        %get3A_494 = arith.constant 80 : index
        %get3A_495 = tpu.vector_load %arg6[%get3A_493, %get3A_494] {strides = array<i32>} : memref<200x128xf32, #tpu.memory_space<vmem>>, vector<1x16xf32>,
        %get3A_496 = vector.shape_cast %get3A_495 : vector<1x16xf32> to vector<16xf32>
        %swap3A_497 = arith.index_cast %scan3A_449 : i32 to index
        %swap3A_498 = arith.constant 80 : index
        %swap3A_499 = tpu.vector_load %arg12[%swap3A_497, %swap3A_498] {strides = array<i32>} : memref<200x128xf32, #tpu.memory_space<vmem>>, vector<1x16xf32>,
        %swap3A_500 = vector.shape_cast %swap3A_499 : vector<1x16xf32> to vector<16xf32>
        %swap3A_501 = vector.shape_cast %get3A_496 : vector<16xf32> to vector<1x16xf32>
        tpu.vector_store %arg12[%swap3A_497, %swap3A_498], %swap3A_501 {add = true, strides = array<i32>} : memref<200x128xf32, #tpu.memory_space<vmem>>, vector<1x16xf32>,
        %get3A_502 = arith.index_cast %scan3A_449 : i32 to index
        %get3A_503 = arith.constant 96 : index
        %get3A_504 = tpu.vector_load %arg6[%get3A_502, %get3A_503] {strides = array<i32>} : memref<200x128xf32, #tpu.memory_space<vmem>>, vector<1x16xf32>,
        %get3A_505 = vector.shape_cast %get3A_504 : vector<1x16xf32> to vector<16xf32>
        %swap3A_506 = arith.index_cast %scan3A_449 : i32 to index
        %swap3A_507 = arith.constant 96 : index
        %swap3A_508 = tpu.vector_load %arg12[%swap3A_506, %swap3A_507] {strides = array<i32>} : memref<200x128xf32, #tpu.memory_space<vmem>>, vector<1x16xf32>,
        %swap3A_509 = vector.shape_cast %swap3A_508 : vector<1x16xf32> to vector<16xf32>
        %swap3A_510 = vector.shape_cast %get3A_505 : vector<16xf32> to vector<1x16xf32>
        tpu.vector_store %arg12[%swap3A_506, %swap3A_507], %swap3A_510 {add = true, strides = array<i32>} : memref<200x128xf32, #tpu.memory_space<vmem>>, vector<1x16xf32>,
        %get3A_511 = arith.index_cast %scan3A_449 : i32 to index
        %get3A_512 = arith.constant 112 : index
        %get3A_513 = tpu.vector_load %arg6[%get3A_511, %get3A_512] {strides = array<i32>} : memref<200x128xf32, #tpu.memory_space<vmem>>, vector<1x16xf32>,
        %get3A_514 = vector.shape_cast %get3A_513 : vector<1x16xf32> to vector<16xf32>
        %swap3A_515 = arith.index_cast %scan3A_449 : i32 to index
        %swap3A_516 = arith.constant 112 : index
        %swap3A_517 = tpu.vector_load %arg12[%swap3A_515, %swap3A_516] {strides = array<i32>} : memref<200x128xf32, #tpu.memory_space<vmem>>, vector<1x16xf32>,
        %swap3A_518 = vector.shape_cast %swap3A_517 : vector<1x16xf32> to vector<16xf32>
        %swap3A_519 = vector.shape_cast %get3A_514 : vector<16xf32> to vector<1x16xf32>
        tpu.vector_store %arg12[%swap3A_515, %swap3A_516], %swap3A_519 {add = true, strides = array<i32>} : memref<200x128xf32, #tpu.memory_space<vmem>>, vector<1x16xf32>,
      }
      %scan3A_225 = arith.constant 96 : i32
      %add3A_226 = arith.addi %mul3A_2, %add3A_197 : i32
      %mul3A_227 = arith.constant 200 : i32
      %mul3A_228 = arith.muli %add3A_226, %mul3A_227 : i32
      %add3A_229 = arith.constant 0 : i32
      %add3A_230 = arith.addi %mul3A_228, %add3A_229 : i32
      %dma_start3A_231 = arith.constant 0 : i32
      %dma_start3A_232 = arith.constant 0 : i32
      %dma_start3A_233 = tpu.memref_slice %arg12[%dma_start3A_231, %dma_start3A_232] : memref<200x128xf32, #tpu.memory_space<vmem>> -> memref<96x128xf32, #tpu.memory_space<vmem>>
      %dma_start3A_234 = arith.constant 0 : i32
      %dma_start3A_235 = tpu.memref_slice %arg5[%add3A_230, %dma_start3A_234] : memref<204800x128xf32, #tpu.memory_space<hbm>> -> memref<96x128xf32, #tpu.memory_space<hbm>>
      %dma_start3A_236 = arith.constant 0 : i32
      %dma_start3A_237 = tpu.memref_slice %arg5[%add3A_230, %dma_start3A_236] : memref<204800x128xf32, #tpu.memory_space<hbm>> -> memref<96x128xf32, #tpu.memory_space<hbm>>
      %dma_start3A_238 = arith.constant 0 : i32
      %dma_start3A_239 = arith.constant 0 : i32
      %dma_start3A_240 = tpu.memref_slice %arg12[%dma_start3A_238, %dma_start3A_239] : memref<200x128xf32, #tpu.memory_space<vmem>> -> memref<96x128xf32, #tpu.memory_space<vmem>>
      tpu.enqueue_dma source(%dma_start3A_240 : memref<96x128xf32, #tpu.memory_space<vmem>>) target(%dma_start3A_237 : memref<96x128xf32, #tpu.memory_space<hbm>>) target_semaphore(%arg28 : memref<!tpu.dma_semaphore, #tpu.memory_space<semaphore_mem>>)
      %dma_wait3A_241 = arith.constant 1 : i32
      %dma_wait3A_242 = arith.constant 100 : i32
      %dma_wait3A_243 = arith.constant 0 : i32
      %dma_wait3A_244 = tpu.memref_slice %arg12[%dma_wait3A_242, %dma_wait3A_243] : memref<200x128xf32, #tpu.memory_space<vmem>> -> memref<100x128xf32, #tpu.memory_space<vmem>>
      %dma_wait3A_245 = arith.constant 0 : i32
      %dma_wait3A_246 = tpu.memref_slice %arg8[%dma_wait3A_241, %dma_wait3A_245] : memref<2x100xi32, #tpu.memory_space<vmem>> -> memref<1x100xi32, #tpu.memory_space<vmem>>
      %dma_wait3A_247 = tpu.memref_squeeze %dma_wait3A_246 : memref<1x100xi32, #tpu.memory_space<vmem>> -> memref<100xi32, #tpu.memory_space<vmem>>
      %dma_wait3A_248 = arith.constant 0 : i32
      %dma_wait3A_249 = arith.constant 0 : i32
      %dma_wait3A_250 = tpu.memref_slice %arg3[%dma_wait3A_248, %dma_wait3A_249] : memref<100000x128xf32, #tpu.memory_space<hbm>> -> memref<100000x128xf32, #tpu.memory_space<hbm>>
      tpu.wait_indirect_dma semaphore(%arg22 : memref<!tpu.dma_semaphore, #tpu.memory_space<semaphore_mem>>) src(%dma_wait3A_250 : memref<100000x128xf32, #tpu.memory_space<hbm>>) dst(%dma_wait3A_244 : memref<100x128xf32, #tpu.memory_space<vmem>>)
      %add3A_251 = arith.constant 4 : i32
      %add3A_252 = arith.addi %add3A_197, %add3A_251 : i32
      %lt3A_253 = arith.constant 32 : i32
      %lt3A_254 = arith.cmpi slt, %add3A_252, %lt3A_253 : i32
      %convert_element_type3A_255 = arith.extui %lt3A_254 : i1 to i32
      %cond3A_256 = arith.constant 0 : i32
      %cond3A_257 = arith.cmpi ne, %convert_element_type3A_255, %cond3A_256 : i32
      scf.if %cond3A_257 {
        %add3A_449 = arith.addi %mul3A_2, %add3A_197 : i32
        %add3A_450 = arith.constant 4 : i32
        %add3A_451 = arith.addi %add3A_449, %add3A_450 : i32
        %dma_start3A_452 = arith.constant 0 : i32
        %dma_start3A_453 = arith.constant 0 : i32
        %dma_start3A_454 = tpu.memref_slice %arg2[%add3A_451, %dma_start3A_452, %dma_start3A_453] : memref<1024x2x100xi32, #tpu.memory_space<hbm>> -> memref<1x2x100xi32, #tpu.memory_space<hbm>>
        %dma_start3A_455 = tpu.memref_squeeze %dma_start3A_454 : memref<1x2x100xi32, #tpu.memory_space<hbm>> -> memref<2x100xi32, #tpu.memory_space<hbm>>
        %dma_start3A_456 = arith.constant 0 : i32
        %dma_start3A_457 = arith.constant 0 : i32
        %dma_start3A_458 = tpu.memref_slice %arg2[%add3A_451, %dma_start3A_456, %dma_start3A_457] : memref<1024x2x100xi32, #tpu.memory_space<hbm>> -> memref<1x2x100xi32, #tpu.memory_space<hbm>>
        %dma_start3A_459 = tpu.memref_squeeze %dma_start3A_458 : memref<1x2x100xi32, #tpu.memory_space<hbm>> -> memref<2x100xi32, #tpu.memory_space<hbm>>
        tpu.enqueue_dma source(%dma_start3A_459 : memref<2x100xi32, #tpu.memory_space<hbm>>) target(%arg8 : memref<2x100xi32, #tpu.memory_space<vmem>>) target_semaphore(%arg16 : memref<!tpu.dma_semaphore, #tpu.memory_space<semaphore_mem>>)
      } else {
      }
      %scan3A_258 = arith.constant 0 : i32
      %scan3A_259 = arith.constant 96 : i32
      %scan3A_260 = arith.constant 104 : i32
      %scan3A_261 = arith.addi %scan3A_259, %scan3A_260 : i32
      %scan3A_262 = arith.constant 1 : i32
      scf.for %scan3A_449 = %scan3A_259 to %scan3A_261 step %scan3A_262  : i32 {
        %get3A = arith.index_cast %scan3A_449 : i32 to index
        %get3A_450 = arith.constant 0 : index
        %get3A_451 = tpu.vector_load %arg6[%get3A, %get3A_450] {strides = array<i32>} : memref<200x128xf32, #tpu.memory_space<vmem>>, vector<1x16xf32>,
        %get3A_452 = vector.shape_cast %get3A_451 : vector<1x16xf32> to vector<16xf32>
        %swap3A = arith.index_cast %scan3A_449 : i32 to index
        %swap3A_453 = arith.constant 0 : index
        %swap3A_454 = tpu.vector_load %arg12[%swap3A, %swap3A_453] {strides = array<i32>} : memref<200x128xf32, #tpu.memory_space<vmem>>, vector<1x16xf32>,
        %swap3A_455 = vector.shape_cast %swap3A_454 : vector<1x16xf32> to vector<16xf32>
        %swap3A_456 = vector.shape_cast %get3A_452 : vector<16xf32> to vector<1x16xf32>
        tpu.vector_store %arg12[%swap3A, %swap3A_453], %swap3A_456 {add = true, strides = array<i32>} : memref<200x128xf32, #tpu.memory_space<vmem>>, vector<1x16xf32>,
        %get3A_457 = arith.index_cast %scan3A_449 : i32 to index
        %get3A_458 = arith.constant 16 : index
        %get3A_459 = tpu.vector_load %arg6[%get3A_457, %get3A_458] {strides = array<i32>} : memref<200x128xf32, #tpu.memory_space<vmem>>, vector<1x16xf32>,
        %get3A_460 = vector.shape_cast %get3A_459 : vector<1x16xf32> to vector<16xf32>
        %swap3A_461 = arith.index_cast %scan3A_449 : i32 to index
        %swap3A_462 = arith.constant 16 : index
        %swap3A_463 = tpu.vector_load %arg12[%swap3A_461, %swap3A_462] {strides = array<i32>} : memref<200x128xf32, #tpu.memory_space<vmem>>, vector<1x16xf32>,
        %swap3A_464 = vector.shape_cast %swap3A_463 : vector<1x16xf32> to vector<16xf32>
        %swap3A_465 = vector.shape_cast %get3A_460 : vector<16xf32> to vector<1x16xf32>
        tpu.vector_store %arg12[%swap3A_461, %swap3A_462], %swap3A_465 {add = true, strides = array<i32>} : memref<200x128xf32, #tpu.memory_space<vmem>>, vector<1x16xf32>,
        %get3A_466 = arith.index_cast %scan3A_449 : i32 to index
        %get3A_467 = arith.constant 32 : index
        %get3A_468 = tpu.vector_load %arg6[%get3A_466, %get3A_467] {strides = array<i32>} : memref<200x128xf32, #tpu.memory_space<vmem>>, vector<1x16xf32>,
        %get3A_469 = vector.shape_cast %get3A_468 : vector<1x16xf32> to vector<16xf32>
        %swap3A_470 = arith.index_cast %scan3A_449 : i32 to index
        %swap3A_471 = arith.constant 32 : index
        %swap3A_472 = tpu.vector_load %arg12[%swap3A_470, %swap3A_471] {strides = array<i32>} : memref<200x128xf32, #tpu.memory_space<vmem>>, vector<1x16xf32>,
        %swap3A_473 = vector.shape_cast %swap3A_472 : vector<1x16xf32> to vector<16xf32>
        %swap3A_474 = vector.shape_cast %get3A_469 : vector<16xf32> to vector<1x16xf32>
        tpu.vector_store %arg12[%swap3A_470, %swap3A_471], %swap3A_474 {add = true, strides = array<i32>} : memref<200x128xf32, #tpu.memory_space<vmem>>, vector<1x16xf32>,
        %get3A_475 = arith.index_cast %scan3A_449 : i32 to index
        %get3A_476 = arith.constant 48 : index
        %get3A_477 = tpu.vector_load %arg6[%get3A_475, %get3A_476] {strides = array<i32>} : memref<200x128xf32, #tpu.memory_space<vmem>>, vector<1x16xf32>,
        %get3A_478 = vector.shape_cast %get3A_477 : vector<1x16xf32> to vector<16xf32>
        %swap3A_479 = arith.index_cast %scan3A_449 : i32 to index
        %swap3A_480 = arith.constant 48 : index
        %swap3A_481 = tpu.vector_load %arg12[%swap3A_479, %swap3A_480] {strides = array<i32>} : memref<200x128xf32, #tpu.memory_space<vmem>>, vector<1x16xf32>,
        %swap3A_482 = vector.shape_cast %swap3A_481 : vector<1x16xf32> to vector<16xf32>
        %swap3A_483 = vector.shape_cast %get3A_478 : vector<16xf32> to vector<1x16xf32>
        tpu.vector_store %arg12[%swap3A_479, %swap3A_480], %swap3A_483 {add = true, strides = array<i32>} : memref<200x128xf32, #tpu.memory_space<vmem>>, vector<1x16xf32>,
        %get3A_484 = arith.index_cast %scan3A_449 : i32 to index
        %get3A_485 = arith.constant 64 : index
        %get3A_486 = tpu.vector_load %arg6[%get3A_484, %get3A_485] {strides = array<i32>} : memref<200x128xf32, #tpu.memory_space<vmem>>, vector<1x16xf32>,
        %get3A_487 = vector.shape_cast %get3A_486 : vector<1x16xf32> to vector<16xf32>
        %swap3A_488 = arith.index_cast %scan3A_449 : i32 to index
        %swap3A_489 = arith.constant 64 : index
        %swap3A_490 = tpu.vector_load %arg12[%swap3A_488, %swap3A_489] {strides = array<i32>} : memref<200x128xf32, #tpu.memory_space<vmem>>, vector<1x16xf32>,
        %swap3A_491 = vector.shape_cast %swap3A_490 : vector<1x16xf32> to vector<16xf32>
        %swap3A_492 = vector.shape_cast %get3A_487 : vector<16xf32> to vector<1x16xf32>
        tpu.vector_store %arg12[%swap3A_488, %swap3A_489], %swap3A_492 {add = true, strides = array<i32>} : memref<200x128xf32, #tpu.memory_space<vmem>>, vector<1x16xf32>,
        %get3A_493 = arith.index_cast %scan3A_449 : i32 to index
        %get3A_494 = arith.constant 80 : index
        %get3A_495 = tpu.vector_load %arg6[%get3A_493, %get3A_494] {strides = array<i32>} : memref<200x128xf32, #tpu.memory_space<vmem>>, vector<1x16xf32>,
        %get3A_496 = vector.shape_cast %get3A_495 : vector<1x16xf32> to vector<16xf32>
        %swap3A_497 = arith.index_cast %scan3A_449 : i32 to index
        %swap3A_498 = arith.constant 80 : index
        %swap3A_499 = tpu.vector_load %arg12[%swap3A_497, %swap3A_498] {strides = array<i32>} : memref<200x128xf32, #tpu.memory_space<vmem>>, vector<1x16xf32>,
        %swap3A_500 = vector.shape_cast %swap3A_499 : vector<1x16xf32> to vector<16xf32>
        %swap3A_501 = vector.shape_cast %get3A_496 : vector<16xf32> to vector<1x16xf32>
        tpu.vector_store %arg12[%swap3A_497, %swap3A_498], %swap3A_501 {add = true, strides = array<i32>} : memref<200x128xf32, #tpu.memory_space<vmem>>, vector<1x16xf32>,
        %get3A_502 = arith.index_cast %scan3A_449 : i32 to index
        %get3A_503 = arith.constant 96 : index
        %get3A_504 = tpu.vector_load %arg6[%get3A_502, %get3A_503] {strides = array<i32>} : memref<200x128xf32, #tpu.memory_space<vmem>>, vector<1x16xf32>,
        %get3A_505 = vector.shape_cast %get3A_504 : vector<1x16xf32> to vector<16xf32>
        %swap3A_506 = arith.index_cast %scan3A_449 : i32 to index
        %swap3A_507 = arith.constant 96 : index
        %swap3A_508 = tpu.vector_load %arg12[%swap3A_506, %swap3A_507] {strides = array<i32>} : memref<200x128xf32, #tpu.memory_space<vmem>>, vector<1x16xf32>,
        %swap3A_509 = vector.shape_cast %swap3A_508 : vector<1x16xf32> to vector<16xf32>
        %swap3A_510 = vector.shape_cast %get3A_505 : vector<16xf32> to vector<1x16xf32>
        tpu.vector_store %arg12[%swap3A_506, %swap3A_507], %swap3A_510 {add = true, strides = array<i32>} : memref<200x128xf32, #tpu.memory_space<vmem>>, vector<1x16xf32>,
        %get3A_511 = arith.index_cast %scan3A_449 : i32 to index
        %get3A_512 = arith.constant 112 : index
        %get3A_513 = tpu.vector_load %arg6[%get3A_511, %get3A_512] {strides = array<i32>} : memref<200x128xf32, #tpu.memory_space<vmem>>, vector<1x16xf32>,
        %get3A_514 = vector.shape_cast %get3A_513 : vector<1x16xf32> to vector<16xf32>
        %swap3A_515 = arith.index_cast %scan3A_449 : i32 to index
        %swap3A_516 = arith.constant 112 : index
        %swap3A_517 = tpu.vector_load %arg12[%swap3A_515, %swap3A_516] {strides = array<i32>} : memref<200x128xf32, #tpu.memory_space<vmem>>, vector<1x16xf32>,
        %swap3A_518 = vector.shape_cast %swap3A_517 : vector<1x16xf32> to vector<16xf32>
        %swap3A_519 = vector.shape_cast %get3A_514 : vector<16xf32> to vector<1x16xf32>
        tpu.vector_store %arg12[%swap3A_515, %swap3A_516], %swap3A_519 {add = true, strides = array<i32>} : memref<200x128xf32, #tpu.memory_space<vmem>>, vector<1x16xf32>,
      }
      %scan3A_263 = arith.constant 104 : i32
      %add3A_264 = arith.addi %mul3A_2, %add3A_197 : i32
      %mul3A_265 = arith.constant 200 : i32
      %mul3A_266 = arith.muli %add3A_264, %mul3A_265 : i32
      %add3A_267 = arith.constant 96 : i32
      %add3A_268 = arith.addi %mul3A_266, %add3A_267 : i32
      %dma_start3A_269 = arith.constant 96 : i32
      %dma_start3A_270 = arith.constant 0 : i32
      %dma_start3A_271 = tpu.memref_slice %arg12[%dma_start3A_269, %dma_start3A_270] : memref<200x128xf32, #tpu.memory_space<vmem>> -> memref<104x128xf32, #tpu.memory_space<vmem>>
      %dma_start3A_272 = arith.constant 0 : i32
      %dma_start3A_273 = tpu.memref_slice %arg5[%add3A_268, %dma_start3A_272] : memref<204800x128xf32, #tpu.memory_space<hbm>> -> memref<104x128xf32, #tpu.memory_space<hbm>>
      %dma_start3A_274 = arith.constant 0 : i32
      %dma_start3A_275 = tpu.memref_slice %arg5[%add3A_268, %dma_start3A_274] : memref<204800x128xf32, #tpu.memory_space<hbm>> -> memref<104x128xf32, #tpu.memory_space<hbm>>
      %dma_start3A_276 = arith.constant 96 : i32
      %dma_start3A_277 = arith.constant 0 : i32
      %dma_start3A_278 = tpu.memref_slice %arg12[%dma_start3A_276, %dma_start3A_277] : memref<200x128xf32, #tpu.memory_space<vmem>> -> memref<104x128xf32, #tpu.memory_space<vmem>>
      tpu.enqueue_dma source(%dma_start3A_278 : memref<104x128xf32, #tpu.memory_space<vmem>>) target(%dma_start3A_275 : memref<104x128xf32, #tpu.memory_space<hbm>>) target_semaphore(%arg28 : memref<!tpu.dma_semaphore, #tpu.memory_space<semaphore_mem>>)
      %mul3A_279 = arith.constant 4 : i32
      %mul3A_280 = arith.muli %mul3A_279, %scan3A_112 : i32
      %add3A_281 = arith.constant 2 : i32
      %add3A_282 = arith.addi %mul3A_280, %add3A_281 : i32
      %ge3A_283 = arith.constant 2 : i32
      %ge3A_284 = arith.cmpi sge, %add3A_282, %ge3A_283 : i32
      %convert_element_type3A_285 = arith.extui %ge3A_284 : i1 to i32
      %cond3A_286 = arith.constant 0 : i32
      %cond3A_287 = arith.cmpi ne, %convert_element_type3A_285, %cond3A_286 : i32
      scf.if %cond3A_287 {
        %dma_wait3A_449 = arith.constant 0 : i32
        %dma_wait3A_450 = arith.constant 0 : i32
        %dma_wait3A_451 = tpu.memref_slice %arg5[%dma_wait3A_449, %dma_wait3A_450] : memref<204800x128xf32, #tpu.memory_space<hbm>> -> memref<200x128xf32, #tpu.memory_space<hbm>>
        %dma_wait3A_452 = arith.constant 0 : i32
        %dma_wait3A_453 = arith.constant 0 : i32
        %dma_wait3A_454 = tpu.memref_slice %arg5[%dma_wait3A_452, %dma_wait3A_453] : memref<204800x128xf32, #tpu.memory_space<hbm>> -> memref<200x128xf32, #tpu.memory_space<hbm>>
        tpu.wait_dma2 semaphore(%arg27 : memref<!tpu.dma_semaphore, #tpu.memory_space<semaphore_mem>>) src(%arg11 : memref<200x128xf32, #tpu.memory_space<vmem>>) dst(%dma_wait3A_454 : memref<200x128xf32, #tpu.memory_space<hbm>>)
      } else {
      }
      %add3A_288 = arith.constant 2 : i32
      %add3A_289 = arith.addi %add3A_282, %add3A_288 : i32
      %lt3A_290 = arith.constant 32 : i32
      %lt3A_291 = arith.cmpi slt, %add3A_289, %lt3A_290 : i32
      %convert_element_type3A_292 = arith.extui %lt3A_291 : i1 to i32
      %cond3A_293 = arith.constant 0 : i32
      %cond3A_294 = arith.cmpi ne, %convert_element_type3A_292, %cond3A_293 : i32
      scf.if %cond3A_294 {
        %dma_wait3A_449 = arith.constant 0 : i32
        %dma_wait3A_450 = arith.constant 0 : i32
        %dma_wait3A_451 = tpu.memref_slice %arg2[%mul3A_2, %dma_wait3A_449, %dma_wait3A_450] : memref<1024x2x100xi32, #tpu.memory_space<hbm>> -> memref<1x2x100xi32, #tpu.memory_space<hbm>>
        %dma_wait3A_452 = tpu.memref_squeeze %dma_wait3A_451 : memref<1x2x100xi32, #tpu.memory_space<hbm>> -> memref<2x100xi32, #tpu.memory_space<hbm>>
        %dma_wait3A_453 = arith.constant 0 : i32
        %dma_wait3A_454 = arith.constant 0 : i32
        %dma_wait3A_455 = tpu.memref_slice %arg2[%mul3A_2, %dma_wait3A_453, %dma_wait3A_454] : memref<1024x2x100xi32, #tpu.memory_space<hbm>> -> memref<1x2x100xi32, #tpu.memory_space<hbm>>
        %dma_wait3A_456 = tpu.memref_squeeze %dma_wait3A_455 : memref<1x2x100xi32, #tpu.memory_space<hbm>> -> memref<2x100xi32, #tpu.memory_space<hbm>>
        tpu.wait_dma2 semaphore(%arg15 : memref<!tpu.dma_semaphore, #tpu.memory_space<semaphore_mem>>) src(%dma_wait3A_456 : memref<2x100xi32, #tpu.memory_space<hbm>>) dst(%arg7 : memref<2x100xi32, #tpu.memory_space<vmem>>)
        %dma_start3A_457 = arith.constant 0 : i32
        %dma_start3A_458 = arith.constant 0 : i32
        %dma_start3A_459 = arith.constant 0 : i32
        %dma_start3A_460 = tpu.memref_slice %arg11[%dma_start3A_458, %dma_start3A_459] : memref<200x128xf32, #tpu.memory_space<vmem>> -> memref<100x128xf32, #tpu.memory_space<vmem>>
        %dma_start3A_461 = arith.constant 0 : i32
        %dma_start3A_462 = tpu.memref_slice %arg7[%dma_start3A_457, %dma_start3A_461] : memref<2x100xi32, #tpu.memory_space<vmem>> -> memref<1x100xi32, #tpu.memory_space<vmem>>
        %dma_start3A_463 = tpu.memref_squeeze %dma_start3A_462 : memref<1x100xi32, #tpu.memory_space<vmem>> -> memref<100xi32, #tpu.memory_space<vmem>>
        %dma_start3A_464 = arith.constant 0 : i32
        %dma_start3A_465 = arith.constant 0 : i32
        %dma_start3A_466 = tpu.memref_slice %arg3[%dma_start3A_464, %dma_start3A_465] : memref<100000x128xf32, #tpu.memory_space<hbm>> -> memref<100000x128xf32, #tpu.memory_space<hbm>>
        tpu.enqueue_indirect_dma source(%dma_start3A_466 : memref<100000x128xf32, #tpu.memory_space<hbm>>) target(%dma_start3A_460 : memref<100x128xf32, #tpu.memory_space<vmem>>) offsets(%dma_start3A_463 : memref<100xi32, #tpu.memory_space<vmem>>) semaphore(%arg19 : memref<!tpu.dma_semaphore, #tpu.memory_space<semaphore_mem>>)
        %dma_start3A_467 = arith.constant 1 : i32
        %dma_start3A_468 = arith.constant 100 : i32
        %dma_start3A_469 = arith.constant 0 : i32
        %dma_start3A_470 = tpu.memref_slice %arg11[%dma_start3A_468, %dma_start3A_469] : memref<200x128xf32, #tpu.memory_space<vmem>> -> memref<100x128xf32, #tpu.memory_space<vmem>>
        %dma_start3A_471 = arith.constant 0 : i32
        %dma_start3A_472 = tpu.memref_slice %arg7[%dma_start3A_467, %dma_start3A_471] : memref<2x100xi32, #tpu.memory_space<vmem>> -> memref<1x100xi32, #tpu.memory_space<vmem>>
        %dma_start3A_473 = tpu.memref_squeeze %dma_start3A_472 : memref<1x100xi32, #tpu.memory_space<vmem>> -> memref<100xi32, #tpu.memory_space<vmem>>
        %dma_start3A_474 = arith.constant 0 : i32
        %dma_start3A_475 = arith.constant 0 : i32
        %dma_start3A_476 = tpu.memref_slice %arg3[%dma_start3A_474, %dma_start3A_475] : memref<100000x128xf32, #tpu.memory_space<hbm>> -> memref<100000x128xf32, #tpu.memory_space<hbm>>
        tpu.enqueue_indirect_dma source(%dma_start3A_476 : memref<100000x128xf32, #tpu.memory_space<hbm>>) target(%dma_start3A_470 : memref<100x128xf32, #tpu.memory_space<vmem>>) offsets(%dma_start3A_473 : memref<100xi32, #tpu.memory_space<vmem>>) semaphore(%arg20 : memref<!tpu.dma_semaphore, #tpu.memory_space<semaphore_mem>>)
      } else {
      }
      %dma_wait3A_295 = arith.constant 0 : i32
      %dma_wait3A_296 = arith.constant 0 : i32
      %dma_wait3A_297 = arith.constant 0 : i32
      %dma_wait3A_298 = tpu.memref_slice %arg13[%dma_wait3A_296, %dma_wait3A_297] : memref<200x128xf32, #tpu.memory_space<vmem>> -> memref<100x128xf32, #tpu.memory_space<vmem>>
      %dma_wait3A_299 = arith.constant 0 : i32
      %dma_wait3A_300 = tpu.memref_slice %arg9[%dma_wait3A_295, %dma_wait3A_299] : memref<2x100xi32, #tpu.memory_space<vmem>> -> memref<1x100xi32, #tpu.memory_space<vmem>>
      %dma_wait3A_301 = tpu.memref_squeeze %dma_wait3A_300 : memref<1x100xi32, #tpu.memory_space<vmem>> -> memref<100xi32, #tpu.memory_space<vmem>>
      %dma_wait3A_302 = arith.constant 0 : i32
      %dma_wait3A_303 = arith.constant 0 : i32
      %dma_wait3A_304 = tpu.memref_slice %arg3[%dma_wait3A_302, %dma_wait3A_303] : memref<100000x128xf32, #tpu.memory_space<hbm>> -> memref<100000x128xf32, #tpu.memory_space<hbm>>
      tpu.wait_indirect_dma semaphore(%arg23 : memref<!tpu.dma_semaphore, #tpu.memory_space<semaphore_mem>>) src(%dma_wait3A_304 : memref<100000x128xf32, #tpu.memory_space<hbm>>) dst(%dma_wait3A_298 : memref<100x128xf32, #tpu.memory_space<vmem>>)
      %scan3A_305 = arith.constant 0 : i32
      %scan3A_306 = arith.constant 0 : i32
      %scan3A_307 = arith.constant 96 : i32
      %scan3A_308 = arith.addi %scan3A_306, %scan3A_307 : i32
      %scan3A_309 = arith.constant 1 : i32
      scf.for %scan3A_449 = %scan3A_306 to %scan3A_308 step %scan3A_309  : i32 {
        %get3A = arith.index_cast %scan3A_449 : i32 to index
        %get3A_450 = arith.constant 0 : index
        %get3A_451 = tpu.vector_load %arg6[%get3A, %get3A_450] {strides = array<i32>} : memref<200x128xf32, #tpu.memory_space<vmem>>, vector<1x16xf32>,
        %get3A_452 = vector.shape_cast %get3A_451 : vector<1x16xf32> to vector<16xf32>
        %swap3A = arith.index_cast %scan3A_449 : i32 to index
        %swap3A_453 = arith.constant 0 : index
        %swap3A_454 = tpu.vector_load %arg13[%swap3A, %swap3A_453] {strides = array<i32>} : memref<200x128xf32, #tpu.memory_space<vmem>>, vector<1x16xf32>,
        %swap3A_455 = vector.shape_cast %swap3A_454 : vector<1x16xf32> to vector<16xf32>
        %swap3A_456 = vector.shape_cast %get3A_452 : vector<16xf32> to vector<1x16xf32>
        tpu.vector_store %arg13[%swap3A, %swap3A_453], %swap3A_456 {add = true, strides = array<i32>} : memref<200x128xf32, #tpu.memory_space<vmem>>, vector<1x16xf32>,
        %get3A_457 = arith.index_cast %scan3A_449 : i32 to index
        %get3A_458 = arith.constant 16 : index
        %get3A_459 = tpu.vector_load %arg6[%get3A_457, %get3A_458] {strides = array<i32>} : memref<200x128xf32, #tpu.memory_space<vmem>>, vector<1x16xf32>,
        %get3A_460 = vector.shape_cast %get3A_459 : vector<1x16xf32> to vector<16xf32>
        %swap3A_461 = arith.index_cast %scan3A_449 : i32 to index
        %swap3A_462 = arith.constant 16 : index
        %swap3A_463 = tpu.vector_load %arg13[%swap3A_461, %swap3A_462] {strides = array<i32>} : memref<200x128xf32, #tpu.memory_space<vmem>>, vector<1x16xf32>,
        %swap3A_464 = vector.shape_cast %swap3A_463 : vector<1x16xf32> to vector<16xf32>
        %swap3A_465 = vector.shape_cast %get3A_460 : vector<16xf32> to vector<1x16xf32>
        tpu.vector_store %arg13[%swap3A_461, %swap3A_462], %swap3A_465 {add = true, strides = array<i32>} : memref<200x128xf32, #tpu.memory_space<vmem>>, vector<1x16xf32>,
        %get3A_466 = arith.index_cast %scan3A_449 : i32 to index
        %get3A_467 = arith.constant 32 : index
        %get3A_468 = tpu.vector_load %arg6[%get3A_466, %get3A_467] {strides = array<i32>} : memref<200x128xf32, #tpu.memory_space<vmem>>, vector<1x16xf32>,
        %get3A_469 = vector.shape_cast %get3A_468 : vector<1x16xf32> to vector<16xf32>
        %swap3A_470 = arith.index_cast %scan3A_449 : i32 to index
        %swap3A_471 = arith.constant 32 : index
        %swap3A_472 = tpu.vector_load %arg13[%swap3A_470, %swap3A_471] {strides = array<i32>} : memref<200x128xf32, #tpu.memory_space<vmem>>, vector<1x16xf32>,
        %swap3A_473 = vector.shape_cast %swap3A_472 : vector<1x16xf32> to vector<16xf32>
        %swap3A_474 = vector.shape_cast %get3A_469 : vector<16xf32> to vector<1x16xf32>
        tpu.vector_store %arg13[%swap3A_470, %swap3A_471], %swap3A_474 {add = true, strides = array<i32>} : memref<200x128xf32, #tpu.memory_space<vmem>>, vector<1x16xf32>,
        %get3A_475 = arith.index_cast %scan3A_449 : i32 to index
        %get3A_476 = arith.constant 48 : index
        %get3A_477 = tpu.vector_load %arg6[%get3A_475, %get3A_476] {strides = array<i32>} : memref<200x128xf32, #tpu.memory_space<vmem>>, vector<1x16xf32>,
        %get3A_478 = vector.shape_cast %get3A_477 : vector<1x16xf32> to vector<16xf32>
        %swap3A_479 = arith.index_cast %scan3A_449 : i32 to index
        %swap3A_480 = arith.constant 48 : index
        %swap3A_481 = tpu.vector_load %arg13[%swap3A_479, %swap3A_480] {strides = array<i32>} : memref<200x128xf32, #tpu.memory_space<vmem>>, vector<1x16xf32>,
        %swap3A_482 = vector.shape_cast %swap3A_481 : vector<1x16xf32> to vector<16xf32>
        %swap3A_483 = vector.shape_cast %get3A_478 : vector<16xf32> to vector<1x16xf32>
        tpu.vector_store %arg13[%swap3A_479, %swap3A_480], %swap3A_483 {add = true, strides = array<i32>} : memref<200x128xf32, #tpu.memory_space<vmem>>, vector<1x16xf32>,
        %get3A_484 = arith.index_cast %scan3A_449 : i32 to index
        %get3A_485 = arith.constant 64 : index
        %get3A_486 = tpu.vector_load %arg6[%get3A_484, %get3A_485] {strides = array<i32>} : memref<200x128xf32, #tpu.memory_space<vmem>>, vector<1x16xf32>,
        %get3A_487 = vector.shape_cast %get3A_486 : vector<1x16xf32> to vector<16xf32>
        %swap3A_488 = arith.index_cast %scan3A_449 : i32 to index
        %swap3A_489 = arith.constant 64 : index
        %swap3A_490 = tpu.vector_load %arg13[%swap3A_488, %swap3A_489] {strides = array<i32>} : memref<200x128xf32, #tpu.memory_space<vmem>>, vector<1x16xf32>,
        %swap3A_491 = vector.shape_cast %swap3A_490 : vector<1x16xf32> to vector<16xf32>
        %swap3A_492 = vector.shape_cast %get3A_487 : vector<16xf32> to vector<1x16xf32>
        tpu.vector_store %arg13[%swap3A_488, %swap3A_489], %swap3A_492 {add = true, strides = array<i32>} : memref<200x128xf32, #tpu.memory_space<vmem>>, vector<1x16xf32>,
        %get3A_493 = arith.index_cast %scan3A_449 : i32 to index
        %get3A_494 = arith.constant 80 : index
        %get3A_495 = tpu.vector_load %arg6[%get3A_493, %get3A_494] {strides = array<i32>} : memref<200x128xf32, #tpu.memory_space<vmem>>, vector<1x16xf32>,
        %get3A_496 = vector.shape_cast %get3A_495 : vector<1x16xf32> to vector<16xf32>
        %swap3A_497 = arith.index_cast %scan3A_449 : i32 to index
        %swap3A_498 = arith.constant 80 : index
        %swap3A_499 = tpu.vector_load %arg13[%swap3A_497, %swap3A_498] {strides = array<i32>} : memref<200x128xf32, #tpu.memory_space<vmem>>, vector<1x16xf32>,
        %swap3A_500 = vector.shape_cast %swap3A_499 : vector<1x16xf32> to vector<16xf32>
        %swap3A_501 = vector.shape_cast %get3A_496 : vector<16xf32> to vector<1x16xf32>
        tpu.vector_store %arg13[%swap3A_497, %swap3A_498], %swap3A_501 {add = true, strides = array<i32>} : memref<200x128xf32, #tpu.memory_space<vmem>>, vector<1x16xf32>,
        %get3A_502 = arith.index_cast %scan3A_449 : i32 to index
        %get3A_503 = arith.constant 96 : index
        %get3A_504 = tpu.vector_load %arg6[%get3A_502, %get3A_503] {strides = array<i32>} : memref<200x128xf32, #tpu.memory_space<vmem>>, vector<1x16xf32>,
        %get3A_505 = vector.shape_cast %get3A_504 : vector<1x16xf32> to vector<16xf32>
        %swap3A_506 = arith.index_cast %scan3A_449 : i32 to index
        %swap3A_507 = arith.constant 96 : index
        %swap3A_508 = tpu.vector_load %arg13[%swap3A_506, %swap3A_507] {strides = array<i32>} : memref<200x128xf32, #tpu.memory_space<vmem>>, vector<1x16xf32>,
        %swap3A_509 = vector.shape_cast %swap3A_508 : vector<1x16xf32> to vector<16xf32>
        %swap3A_510 = vector.shape_cast %get3A_505 : vector<16xf32> to vector<1x16xf32>
        tpu.vector_store %arg13[%swap3A_506, %swap3A_507], %swap3A_510 {add = true, strides = array<i32>} : memref<200x128xf32, #tpu.memory_space<vmem>>, vector<1x16xf32>,
        %get3A_511 = arith.index_cast %scan3A_449 : i32 to index
        %get3A_512 = arith.constant 112 : index
        %get3A_513 = tpu.vector_load %arg6[%get3A_511, %get3A_512] {strides = array<i32>} : memref<200x128xf32, #tpu.memory_space<vmem>>, vector<1x16xf32>,
        %get3A_514 = vector.shape_cast %get3A_513 : vector<1x16xf32> to vector<16xf32>
        %swap3A_515 = arith.index_cast %scan3A_449 : i32 to index
        %swap3A_516 = arith.constant 112 : index
        %swap3A_517 = tpu.vector_load %arg13[%swap3A_515, %swap3A_516] {strides = array<i32>} : memref<200x128xf32, #tpu.memory_space<vmem>>, vector<1x16xf32>,
        %swap3A_518 = vector.shape_cast %swap3A_517 : vector<1x16xf32> to vector<16xf32>
        %swap3A_519 = vector.shape_cast %get3A_514 : vector<16xf32> to vector<1x16xf32>
        tpu.vector_store %arg13[%swap3A_515, %swap3A_516], %swap3A_519 {add = true, strides = array<i32>} : memref<200x128xf32, #tpu.memory_space<vmem>>, vector<1x16xf32>,
      }
      %scan3A_310 = arith.constant 96 : i32
      %add3A_311 = arith.addi %mul3A_2, %add3A_282 : i32
      %mul3A_312 = arith.constant 200 : i32
      %mul3A_313 = arith.muli %add3A_311, %mul3A_312 : i32
      %add3A_314 = arith.constant 0 : i32
      %add3A_315 = arith.addi %mul3A_313, %add3A_314 : i32
      %dma_start3A_316 = arith.constant 0 : i32
      %dma_start3A_317 = arith.constant 0 : i32
      %dma_start3A_318 = tpu.memref_slice %arg13[%dma_start3A_316, %dma_start3A_317] : memref<200x128xf32, #tpu.memory_space<vmem>> -> memref<96x128xf32, #tpu.memory_space<vmem>>
      %dma_start3A_319 = arith.constant 0 : i32
      %dma_start3A_320 = tpu.memref_slice %arg5[%add3A_315, %dma_start3A_319] : memref<204800x128xf32, #tpu.memory_space<hbm>> -> memref<96x128xf32, #tpu.memory_space<hbm>>
      %dma_start3A_321 = arith.constant 0 : i32
      %dma_start3A_322 = tpu.memref_slice %arg5[%add3A_315, %dma_start3A_321] : memref<204800x128xf32, #tpu.memory_space<hbm>> -> memref<96x128xf32, #tpu.memory_space<hbm>>
      %dma_start3A_323 = arith.constant 0 : i32
      %dma_start3A_324 = arith.constant 0 : i32
      %dma_start3A_325 = tpu.memref_slice %arg13[%dma_start3A_323, %dma_start3A_324] : memref<200x128xf32, #tpu.memory_space<vmem>> -> memref<96x128xf32, #tpu.memory_space<vmem>>
      tpu.enqueue_dma source(%dma_start3A_325 : memref<96x128xf32, #tpu.memory_space<vmem>>) target(%dma_start3A_322 : memref<96x128xf32, #tpu.memory_space<hbm>>) target_semaphore(%arg29 : memref<!tpu.dma_semaphore, #tpu.memory_space<semaphore_mem>>)
      %dma_wait3A_326 = arith.constant 1 : i32
      %dma_wait3A_327 = arith.constant 100 : i32
      %dma_wait3A_328 = arith.constant 0 : i32
      %dma_wait3A_329 = tpu.memref_slice %arg13[%dma_wait3A_327, %dma_wait3A_328] : memref<200x128xf32, #tpu.memory_space<vmem>> -> memref<100x128xf32, #tpu.memory_space<vmem>>
      %dma_wait3A_330 = arith.constant 0 : i32
      %dma_wait3A_331 = tpu.memref_slice %arg9[%dma_wait3A_326, %dma_wait3A_330] : memref<2x100xi32, #tpu.memory_space<vmem>> -> memref<1x100xi32, #tpu.memory_space<vmem>>
      %dma_wait3A_332 = tpu.memref_squeeze %dma_wait3A_331 : memref<1x100xi32, #tpu.memory_space<vmem>> -> memref<100xi32, #tpu.memory_space<vmem>>
      %dma_wait3A_333 = arith.constant 0 : i32
      %dma_wait3A_334 = arith.constant 0 : i32
      %dma_wait3A_335 = tpu.memref_slice %arg3[%dma_wait3A_333, %dma_wait3A_334] : memref<100000x128xf32, #tpu.memory_space<hbm>> -> memref<100000x128xf32, #tpu.memory_space<hbm>>
      tpu.wait_indirect_dma semaphore(%arg24 : memref<!tpu.dma_semaphore, #tpu.memory_space<semaphore_mem>>) src(%dma_wait3A_335 : memref<100000x128xf32, #tpu.memory_space<hbm>>) dst(%dma_wait3A_329 : memref<100x128xf32, #tpu.memory_space<vmem>>)
      %add3A_336 = arith.constant 4 : i32
      %add3A_337 = arith.addi %add3A_282, %add3A_336 : i32
      %lt3A_338 = arith.constant 32 : i32
      %lt3A_339 = arith.cmpi slt, %add3A_337, %lt3A_338 : i32
      %convert_element_type3A_340 = arith.extui %lt3A_339 : i1 to i32
      %cond3A_341 = arith.constant 0 : i32
      %cond3A_342 = arith.cmpi ne, %convert_element_type3A_340, %cond3A_341 : i32
      scf.if %cond3A_342 {
        %add3A_449 = arith.addi %mul3A_2, %add3A_282 : i32
        %add3A_450 = arith.constant 4 : i32
        %add3A_451 = arith.addi %add3A_449, %add3A_450 : i32
        %dma_start3A_452 = arith.constant 0 : i32
        %dma_start3A_453 = arith.constant 0 : i32
        %dma_start3A_454 = tpu.memref_slice %arg2[%add3A_451, %dma_start3A_452, %dma_start3A_453] : memref<1024x2x100xi32, #tpu.memory_space<hbm>> -> memref<1x2x100xi32, #tpu.memory_space<hbm>>
        %dma_start3A_455 = tpu.memref_squeeze %dma_start3A_454 : memref<1x2x100xi32, #tpu.memory_space<hbm>> -> memref<2x100xi32, #tpu.memory_space<hbm>>
        %dma_start3A_456 = arith.constant 0 : i32
        %dma_start3A_457 = arith.constant 0 : i32
        %dma_start3A_458 = tpu.memref_slice %arg2[%add3A_451, %dma_start3A_456, %dma_start3A_457] : memref<1024x2x100xi32, #tpu.memory_space<hbm>> -> memref<1x2x100xi32, #tpu.memory_space<hbm>>
        %dma_start3A_459 = tpu.memref_squeeze %dma_start3A_458 : memref<1x2x100xi32, #tpu.memory_space<hbm>> -> memref<2x100xi32, #tpu.memory_space<hbm>>
        tpu.enqueue_dma source(%dma_start3A_459 : memref<2x100xi32, #tpu.memory_space<hbm>>) target(%arg9 : memref<2x100xi32, #tpu.memory_space<vmem>>) target_semaphore(%arg17 : memref<!tpu.dma_semaphore, #tpu.memory_space<semaphore_mem>>)
      } else {
      }
      %scan3A_343 = arith.constant 0 : i32
      %scan3A_344 = arith.constant 96 : i32
      %scan3A_345 = arith.constant 104 : i32
      %scan3A_346 = arith.addi %scan3A_344, %scan3A_345 : i32
      %scan3A_347 = arith.constant 1 : i32
      scf.for %scan3A_449 = %scan3A_344 to %scan3A_346 step %scan3A_347  : i32 {
        %get3A = arith.index_cast %scan3A_449 : i32 to index
        %get3A_450 = arith.constant 0 : index
        %get3A_451 = tpu.vector_load %arg6[%get3A, %get3A_450] {strides = array<i32>} : memref<200x128xf32, #tpu.memory_space<vmem>>, vector<1x16xf32>,
        %get3A_452 = vector.shape_cast %get3A_451 : vector<1x16xf32> to vector<16xf32>
        %swap3A = arith.index_cast %scan3A_449 : i32 to index
        %swap3A_453 = arith.constant 0 : index
        %swap3A_454 = tpu.vector_load %arg13[%swap3A, %swap3A_453] {strides = array<i32>} : memref<200x128xf32, #tpu.memory_space<vmem>>, vector<1x16xf32>,
        %swap3A_455 = vector.shape_cast %swap3A_454 : vector<1x16xf32> to vector<16xf32>
        %swap3A_456 = vector.shape_cast %get3A_452 : vector<16xf32> to vector<1x16xf32>
        tpu.vector_store %arg13[%swap3A, %swap3A_453], %swap3A_456 {add = true, strides = array<i32>} : memref<200x128xf32, #tpu.memory_space<vmem>>, vector<1x16xf32>,
        %get3A_457 = arith.index_cast %scan3A_449 : i32 to index
        %get3A_458 = arith.constant 16 : index
        %get3A_459 = tpu.vector_load %arg6[%get3A_457, %get3A_458] {strides = array<i32>} : memref<200x128xf32, #tpu.memory_space<vmem>>, vector<1x16xf32>,
        %get3A_460 = vector.shape_cast %get3A_459 : vector<1x16xf32> to vector<16xf32>
        %swap3A_461 = arith.index_cast %scan3A_449 : i32 to index
        %swap3A_462 = arith.constant 16 : index
        %swap3A_463 = tpu.vector_load %arg13[%swap3A_461, %swap3A_462] {strides = array<i32>} : memref<200x128xf32, #tpu.memory_space<vmem>>, vector<1x16xf32>,
        %swap3A_464 = vector.shape_cast %swap3A_463 : vector<1x16xf32> to vector<16xf32>
        %swap3A_465 = vector.shape_cast %get3A_460 : vector<16xf32> to vector<1x16xf32>
        tpu.vector_store %arg13[%swap3A_461, %swap3A_462], %swap3A_465 {add = true, strides = array<i32>} : memref<200x128xf32, #tpu.memory_space<vmem>>, vector<1x16xf32>,
        %get3A_466 = arith.index_cast %scan3A_449 : i32 to index
        %get3A_467 = arith.constant 32 : index
        %get3A_468 = tpu.vector_load %arg6[%get3A_466, %get3A_467] {strides = array<i32>} : memref<200x128xf32, #tpu.memory_space<vmem>>, vector<1x16xf32>,
        %get3A_469 = vector.shape_cast %get3A_468 : vector<1x16xf32> to vector<16xf32>
        %swap3A_470 = arith.index_cast %scan3A_449 : i32 to index
        %swap3A_471 = arith.constant 32 : index
        %swap3A_472 = tpu.vector_load %arg13[%swap3A_470, %swap3A_471] {strides = array<i32>} : memref<200x128xf32, #tpu.memory_space<vmem>>, vector<1x16xf32>,
        %swap3A_473 = vector.shape_cast %swap3A_472 : vector<1x16xf32> to vector<16xf32>
        %swap3A_474 = vector.shape_cast %get3A_469 : vector<16xf32> to vector<1x16xf32>
        tpu.vector_store %arg13[%swap3A_470, %swap3A_471], %swap3A_474 {add = true, strides = array<i32>} : memref<200x128xf32, #tpu.memory_space<vmem>>, vector<1x16xf32>,
        %get3A_475 = arith.index_cast %scan3A_449 : i32 to index
        %get3A_476 = arith.constant 48 : index
        %get3A_477 = tpu.vector_load %arg6[%get3A_475, %get3A_476] {strides = array<i32>} : memref<200x128xf32, #tpu.memory_space<vmem>>, vector<1x16xf32>,
        %get3A_478 = vector.shape_cast %get3A_477 : vector<1x16xf32> to vector<16xf32>
        %swap3A_479 = arith.index_cast %scan3A_449 : i32 to index
        %swap3A_480 = arith.constant 48 : index
        %swap3A_481 = tpu.vector_load %arg13[%swap3A_479, %swap3A_480] {strides = array<i32>} : memref<200x128xf32, #tpu.memory_space<vmem>>, vector<1x16xf32>,
        %swap3A_482 = vector.shape_cast %swap3A_481 : vector<1x16xf32> to vector<16xf32>
        %swap3A_483 = vector.shape_cast %get3A_478 : vector<16xf32> to vector<1x16xf32>
        tpu.vector_store %arg13[%swap3A_479, %swap3A_480], %swap3A_483 {add = true, strides = array<i32>} : memref<200x128xf32, #tpu.memory_space<vmem>>, vector<1x16xf32>,
        %get3A_484 = arith.index_cast %scan3A_449 : i32 to index
        %get3A_485 = arith.constant 64 : index
        %get3A_486 = tpu.vector_load %arg6[%get3A_484, %get3A_485] {strides = array<i32>} : memref<200x128xf32, #tpu.memory_space<vmem>>, vector<1x16xf32>,
        %get3A_487 = vector.shape_cast %get3A_486 : vector<1x16xf32> to vector<16xf32>
        %swap3A_488 = arith.index_cast %scan3A_449 : i32 to index
        %swap3A_489 = arith.constant 64 : index
        %swap3A_490 = tpu.vector_load %arg13[%swap3A_488, %swap3A_489] {strides = array<i32>} : memref<200x128xf32, #tpu.memory_space<vmem>>, vector<1x16xf32>,
        %swap3A_491 = vector.shape_cast %swap3A_490 : vector<1x16xf32> to vector<16xf32>
        %swap3A_492 = vector.shape_cast %get3A_487 : vector<16xf32> to vector<1x16xf32>
        tpu.vector_store %arg13[%swap3A_488, %swap3A_489], %swap3A_492 {add = true, strides = array<i32>} : memref<200x128xf32, #tpu.memory_space<vmem>>, vector<1x16xf32>,
        %get3A_493 = arith.index_cast %scan3A_449 : i32 to index
        %get3A_494 = arith.constant 80 : index
        %get3A_495 = tpu.vector_load %arg6[%get3A_493, %get3A_494] {strides = array<i32>} : memref<200x128xf32, #tpu.memory_space<vmem>>, vector<1x16xf32>,
        %get3A_496 = vector.shape_cast %get3A_495 : vector<1x16xf32> to vector<16xf32>
        %swap3A_497 = arith.index_cast %scan3A_449 : i32 to index
        %swap3A_498 = arith.constant 80 : index
        %swap3A_499 = tpu.vector_load %arg13[%swap3A_497, %swap3A_498] {strides = array<i32>} : memref<200x128xf32, #tpu.memory_space<vmem>>, vector<1x16xf32>,
        %swap3A_500 = vector.shape_cast %swap3A_499 : vector<1x16xf32> to vector<16xf32>
        %swap3A_501 = vector.shape_cast %get3A_496 : vector<16xf32> to vector<1x16xf32>
        tpu.vector_store %arg13[%swap3A_497, %swap3A_498], %swap3A_501 {add = true, strides = array<i32>} : memref<200x128xf32, #tpu.memory_space<vmem>>, vector<1x16xf32>,
        %get3A_502 = arith.index_cast %scan3A_449 : i32 to index
        %get3A_503 = arith.constant 96 : index
        %get3A_504 = tpu.vector_load %arg6[%get3A_502, %get3A_503] {strides = array<i32>} : memref<200x128xf32, #tpu.memory_space<vmem>>, vector<1x16xf32>,
        %get3A_505 = vector.shape_cast %get3A_504 : vector<1x16xf32> to vector<16xf32>
        %swap3A_506 = arith.index_cast %scan3A_449 : i32 to index
        %swap3A_507 = arith.constant 96 : index
        %swap3A_508 = tpu.vector_load %arg13[%swap3A_506, %swap3A_507] {strides = array<i32>} : memref<200x128xf32, #tpu.memory_space<vmem>>, vector<1x16xf32>,
        %swap3A_509 = vector.shape_cast %swap3A_508 : vector<1x16xf32> to vector<16xf32>
        %swap3A_510 = vector.shape_cast %get3A_505 : vector<16xf32> to vector<1x16xf32>
        tpu.vector_store %arg13[%swap3A_506, %swap3A_507], %swap3A_510 {add = true, strides = array<i32>} : memref<200x128xf32, #tpu.memory_space<vmem>>, vector<1x16xf32>,
        %get3A_511 = arith.index_cast %scan3A_449 : i32 to index
        %get3A_512 = arith.constant 112 : index
        %get3A_513 = tpu.vector_load %arg6[%get3A_511, %get3A_512] {strides = array<i32>} : memref<200x128xf32, #tpu.memory_space<vmem>>, vector<1x16xf32>,
        %get3A_514 = vector.shape_cast %get3A_513 : vector<1x16xf32> to vector<16xf32>
        %swap3A_515 = arith.index_cast %scan3A_449 : i32 to index
        %swap3A_516 = arith.constant 112 : index
        %swap3A_517 = tpu.vector_load %arg13[%swap3A_515, %swap3A_516] {strides = array<i32>} : memref<200x128xf32, #tpu.memory_space<vmem>>, vector<1x16xf32>,
        %swap3A_518 = vector.shape_cast %swap3A_517 : vector<1x16xf32> to vector<16xf32>
        %swap3A_519 = vector.shape_cast %get3A_514 : vector<16xf32> to vector<1x16xf32>
        tpu.vector_store %arg13[%swap3A_515, %swap3A_516], %swap3A_519 {add = true, strides = array<i32>} : memref<200x128xf32, #tpu.memory_space<vmem>>, vector<1x16xf32>,
      }
      %scan3A_348 = arith.constant 104 : i32
      %add3A_349 = arith.addi %mul3A_2, %add3A_282 : i32
      %mul3A_350 = arith.constant 200 : i32
      %mul3A_351 = arith.muli %add3A_349, %mul3A_350 : i32
      %add3A_352 = arith.constant 96 : i32
      %add3A_353 = arith.addi %mul3A_351, %add3A_352 : i32
      %dma_start3A_354 = arith.constant 96 : i32
      %dma_start3A_355 = arith.constant 0 : i32
      %dma_start3A_356 = tpu.memref_slice %arg13[%dma_start3A_354, %dma_start3A_355] : memref<200x128xf32, #tpu.memory_space<vmem>> -> memref<104x128xf32, #tpu.memory_space<vmem>>
      %dma_start3A_357 = arith.constant 0 : i32
      %dma_start3A_358 = tpu.memref_slice %arg5[%add3A_353, %dma_start3A_357] : memref<204800x128xf32, #tpu.memory_space<hbm>> -> memref<104x128xf32, #tpu.memory_space<hbm>>
      %dma_start3A_359 = arith.constant 0 : i32
      %dma_start3A_360 = tpu.memref_slice %arg5[%add3A_353, %dma_start3A_359] : memref<204800x128xf32, #tpu.memory_space<hbm>> -> memref<104x128xf32, #tpu.memory_space<hbm>>
      %dma_start3A_361 = arith.constant 96 : i32
      %dma_start3A_362 = arith.constant 0 : i32
      %dma_start3A_363 = tpu.memref_slice %arg13[%dma_start3A_361, %dma_start3A_362] : memref<200x128xf32, #tpu.memory_space<vmem>> -> memref<104x128xf32, #tpu.memory_space<vmem>>
      tpu.enqueue_dma source(%dma_start3A_363 : memref<104x128xf32, #tpu.memory_space<vmem>>) target(%dma_start3A_360 : memref<104x128xf32, #tpu.memory_space<hbm>>) target_semaphore(%arg29 : memref<!tpu.dma_semaphore, #tpu.memory_space<semaphore_mem>>)
      %mul3A_364 = arith.constant 4 : i32
      %mul3A_365 = arith.muli %mul3A_364, %scan3A_112 : i32
      %add3A_366 = arith.constant 3 : i32
      %add3A_367 = arith.addi %mul3A_365, %add3A_366 : i32
      %ge3A_368 = arith.constant 2 : i32
      %ge3A_369 = arith.cmpi sge, %add3A_367, %ge3A_368 : i32
      %convert_element_type3A_370 = arith.extui %ge3A_369 : i1 to i32
      %cond3A_371 = arith.constant 0 : i32
      %cond3A_372 = arith.cmpi ne, %convert_element_type3A_370, %cond3A_371 : i32
      scf.if %cond3A_372 {
        %dma_wait3A_449 = arith.constant 0 : i32
        %dma_wait3A_450 = arith.constant 0 : i32
        %dma_wait3A_451 = tpu.memref_slice %arg5[%dma_wait3A_449, %dma_wait3A_450] : memref<204800x128xf32, #tpu.memory_space<hbm>> -> memref<200x128xf32, #tpu.memory_space<hbm>>
        %dma_wait3A_452 = arith.constant 0 : i32
        %dma_wait3A_453 = arith.constant 0 : i32
        %dma_wait3A_454 = tpu.memref_slice %arg5[%dma_wait3A_452, %dma_wait3A_453] : memref<204800x128xf32, #tpu.memory_space<hbm>> -> memref<200x128xf32, #tpu.memory_space<hbm>>
        tpu.wait_dma2 semaphore(%arg28 : memref<!tpu.dma_semaphore, #tpu.memory_space<semaphore_mem>>) src(%arg12 : memref<200x128xf32, #tpu.memory_space<vmem>>) dst(%dma_wait3A_454 : memref<200x128xf32, #tpu.memory_space<hbm>>)
      } else {
      }
      %add3A_373 = arith.constant 2 : i32
      %add3A_374 = arith.addi %add3A_367, %add3A_373 : i32
      %lt3A_375 = arith.constant 32 : i32
      %lt3A_376 = arith.cmpi slt, %add3A_374, %lt3A_375 : i32
      %convert_element_type3A_377 = arith.extui %lt3A_376 : i1 to i32
      %cond3A_378 = arith.constant 0 : i32
      %cond3A_379 = arith.cmpi ne, %convert_element_type3A_377, %cond3A_378 : i32
      scf.if %cond3A_379 {
        %dma_wait3A_449 = arith.constant 0 : i32
        %dma_wait3A_450 = arith.constant 0 : i32
        %dma_wait3A_451 = tpu.memref_slice %arg2[%mul3A_2, %dma_wait3A_449, %dma_wait3A_450] : memref<1024x2x100xi32, #tpu.memory_space<hbm>> -> memref<1x2x100xi32, #tpu.memory_space<hbm>>
        %dma_wait3A_452 = tpu.memref_squeeze %dma_wait3A_451 : memref<1x2x100xi32, #tpu.memory_space<hbm>> -> memref<2x100xi32, #tpu.memory_space<hbm>>
        %dma_wait3A_453 = arith.constant 0 : i32
        %dma_wait3A_454 = arith.constant 0 : i32
        %dma_wait3A_455 = tpu.memref_slice %arg2[%mul3A_2, %dma_wait3A_453, %dma_wait3A_454] : memref<1024x2x100xi32, #tpu.memory_space<hbm>> -> memref<1x2x100xi32, #tpu.memory_space<hbm>>
        %dma_wait3A_456 = tpu.memref_squeeze %dma_wait3A_455 : memref<1x2x100xi32, #tpu.memory_space<hbm>> -> memref<2x100xi32, #tpu.memory_space<hbm>>
        tpu.wait_dma2 semaphore(%arg16 : memref<!tpu.dma_semaphore, #tpu.memory_space<semaphore_mem>>) src(%dma_wait3A_456 : memref<2x100xi32, #tpu.memory_space<hbm>>) dst(%arg8 : memref<2x100xi32, #tpu.memory_space<vmem>>)
        %dma_start3A_457 = arith.constant 0 : i32
        %dma_start3A_458 = arith.constant 0 : i32
        %dma_start3A_459 = arith.constant 0 : i32
        %dma_start3A_460 = tpu.memref_slice %arg12[%dma_start3A_458, %dma_start3A_459] : memref<200x128xf32, #tpu.memory_space<vmem>> -> memref<100x128xf32, #tpu.memory_space<vmem>>
        %dma_start3A_461 = arith.constant 0 : i32
        %dma_start3A_462 = tpu.memref_slice %arg8[%dma_start3A_457, %dma_start3A_461] : memref<2x100xi32, #tpu.memory_space<vmem>> -> memref<1x100xi32, #tpu.memory_space<vmem>>
        %dma_start3A_463 = tpu.memref_squeeze %dma_start3A_462 : memref<1x100xi32, #tpu.memory_space<vmem>> -> memref<100xi32, #tpu.memory_space<vmem>>
        %dma_start3A_464 = arith.constant 0 : i32
        %dma_start3A_465 = arith.constant 0 : i32
        %dma_start3A_466 = tpu.memref_slice %arg3[%dma_start3A_464, %dma_start3A_465] : memref<100000x128xf32, #tpu.memory_space<hbm>> -> memref<100000x128xf32, #tpu.memory_space<hbm>>
        tpu.enqueue_indirect_dma source(%dma_start3A_466 : memref<100000x128xf32, #tpu.memory_space<hbm>>) target(%dma_start3A_460 : memref<100x128xf32, #tpu.memory_space<vmem>>) offsets(%dma_start3A_463 : memref<100xi32, #tpu.memory_space<vmem>>) semaphore(%arg21 : memref<!tpu.dma_semaphore, #tpu.memory_space<semaphore_mem>>)
        %dma_start3A_467 = arith.constant 1 : i32
        %dma_start3A_468 = arith.constant 100 : i32
        %dma_start3A_469 = arith.constant 0 : i32
        %dma_start3A_470 = tpu.memref_slice %arg12[%dma_start3A_468, %dma_start3A_469] : memref<200x128xf32, #tpu.memory_space<vmem>> -> memref<100x128xf32, #tpu.memory_space<vmem>>
        %dma_start3A_471 = arith.constant 0 : i32
        %dma_start3A_472 = tpu.memref_slice %arg8[%dma_start3A_467, %dma_start3A_471] : memref<2x100xi32, #tpu.memory_space<vmem>> -> memref<1x100xi32, #tpu.memory_space<vmem>>
        %dma_start3A_473 = tpu.memref_squeeze %dma_start3A_472 : memref<1x100xi32, #tpu.memory_space<vmem>> -> memref<100xi32, #tpu.memory_space<vmem>>
        %dma_start3A_474 = arith.constant 0 : i32
        %dma_start3A_475 = arith.constant 0 : i32
        %dma_start3A_476 = tpu.memref_slice %arg3[%dma_start3A_474, %dma_start3A_475] : memref<100000x128xf32, #tpu.memory_space<hbm>> -> memref<100000x128xf32, #tpu.memory_space<hbm>>
        tpu.enqueue_indirect_dma source(%dma_start3A_476 : memref<100000x128xf32, #tpu.memory_space<hbm>>) target(%dma_start3A_470 : memref<100x128xf32, #tpu.memory_space<vmem>>) offsets(%dma_start3A_473 : memref<100xi32, #tpu.memory_space<vmem>>) semaphore(%arg22 : memref<!tpu.dma_semaphore, #tpu.memory_space<semaphore_mem>>)
      } else {
      }
      %dma_wait3A_380 = arith.constant 0 : i32
      %dma_wait3A_381 = arith.constant 0 : i32
      %dma_wait3A_382 = arith.constant 0 : i32
      %dma_wait3A_383 = tpu.memref_slice %arg14[%dma_wait3A_381, %dma_wait3A_382] : memref<200x128xf32, #tpu.memory_space<vmem>> -> memref<100x128xf32, #tpu.memory_space<vmem>>
      %dma_wait3A_384 = arith.constant 0 : i32
      %dma_wait3A_385 = tpu.memref_slice %arg10[%dma_wait3A_380, %dma_wait3A_384] : memref<2x100xi32, #tpu.memory_space<vmem>> -> memref<1x100xi32, #tpu.memory_space<vmem>>
      %dma_wait3A_386 = tpu.memref_squeeze %dma_wait3A_385 : memref<1x100xi32, #tpu.memory_space<vmem>> -> memref<100xi32, #tpu.memory_space<vmem>>
      %dma_wait3A_387 = arith.constant 0 : i32
      %dma_wait3A_388 = arith.constant 0 : i32
      %dma_wait3A_389 = tpu.memref_slice %arg3[%dma_wait3A_387, %dma_wait3A_388] : memref<100000x128xf32, #tpu.memory_space<hbm>> -> memref<100000x128xf32, #tpu.memory_space<hbm>>
      tpu.wait_indirect_dma semaphore(%arg25 : memref<!tpu.dma_semaphore, #tpu.memory_space<semaphore_mem>>) src(%dma_wait3A_389 : memref<100000x128xf32, #tpu.memory_space<hbm>>) dst(%dma_wait3A_383 : memref<100x128xf32, #tpu.memory_space<vmem>>)
      %scan3A_390 = arith.constant 0 : i32
      %scan3A_391 = arith.constant 0 : i32
      %scan3A_392 = arith.constant 96 : i32
      %scan3A_393 = arith.addi %scan3A_391, %scan3A_392 : i32
      %scan3A_394 = arith.constant 1 : i32
      scf.for %scan3A_449 = %scan3A_391 to %scan3A_393 step %scan3A_394  : i32 {
        %get3A = arith.index_cast %scan3A_449 : i32 to index
        %get3A_450 = arith.constant 0 : index
        %get3A_451 = tpu.vector_load %arg6[%get3A, %get3A_450] {strides = array<i32>} : memref<200x128xf32, #tpu.memory_space<vmem>>, vector<1x16xf32>,
        %get3A_452 = vector.shape_cast %get3A_451 : vector<1x16xf32> to vector<16xf32>
        %swap3A = arith.index_cast %scan3A_449 : i32 to index
        %swap3A_453 = arith.constant 0 : index
        %swap3A_454 = tpu.vector_load %arg14[%swap3A, %swap3A_453] {strides = array<i32>} : memref<200x128xf32, #tpu.memory_space<vmem>>, vector<1x16xf32>,
        %swap3A_455 = vector.shape_cast %swap3A_454 : vector<1x16xf32> to vector<16xf32>
        %swap3A_456 = vector.shape_cast %get3A_452 : vector<16xf32> to vector<1x16xf32>
        tpu.vector_store %arg14[%swap3A, %swap3A_453], %swap3A_456 {add = true, strides = array<i32>} : memref<200x128xf32, #tpu.memory_space<vmem>>, vector<1x16xf32>,
        %get3A_457 = arith.index_cast %scan3A_449 : i32 to index
        %get3A_458 = arith.constant 16 : index
        %get3A_459 = tpu.vector_load %arg6[%get3A_457, %get3A_458] {strides = array<i32>} : memref<200x128xf32, #tpu.memory_space<vmem>>, vector<1x16xf32>,
        %get3A_460 = vector.shape_cast %get3A_459 : vector<1x16xf32> to vector<16xf32>
        %swap3A_461 = arith.index_cast %scan3A_449 : i32 to index
        %swap3A_462 = arith.constant 16 : index
        %swap3A_463 = tpu.vector_load %arg14[%swap3A_461, %swap3A_462] {strides = array<i32>} : memref<200x128xf32, #tpu.memory_space<vmem>>, vector<1x16xf32>,
        %swap3A_464 = vector.shape_cast %swap3A_463 : vector<1x16xf32> to vector<16xf32>
        %swap3A_465 = vector.shape_cast %get3A_460 : vector<16xf32> to vector<1x16xf32>
        tpu.vector_store %arg14[%swap3A_461, %swap3A_462], %swap3A_465 {add = true, strides = array<i32>} : memref<200x128xf32, #tpu.memory_space<vmem>>, vector<1x16xf32>,
        %get3A_466 = arith.index_cast %scan3A_449 : i32 to index
        %get3A_467 = arith.constant 32 : index
        %get3A_468 = tpu.vector_load %arg6[%get3A_466, %get3A_467] {strides = array<i32>} : memref<200x128xf32, #tpu.memory_space<vmem>>, vector<1x16xf32>,
        %get3A_469 = vector.shape_cast %get3A_468 : vector<1x16xf32> to vector<16xf32>
        %swap3A_470 = arith.index_cast %scan3A_449 : i32 to index
        %swap3A_471 = arith.constant 32 : index
        %swap3A_472 = tpu.vector_load %arg14[%swap3A_470, %swap3A_471] {strides = array<i32>} : memref<200x128xf32, #tpu.memory_space<vmem>>, vector<1x16xf32>,
        %swap3A_473 = vector.shape_cast %swap3A_472 : vector<1x16xf32> to vector<16xf32>
        %swap3A_474 = vector.shape_cast %get3A_469 : vector<16xf32> to vector<1x16xf32>
        tpu.vector_store %arg14[%swap3A_470, %swap3A_471], %swap3A_474 {add = true, strides = array<i32>} : memref<200x128xf32, #tpu.memory_space<vmem>>, vector<1x16xf32>,
        %get3A_475 = arith.index_cast %scan3A_449 : i32 to index
        %get3A_476 = arith.constant 48 : index
        %get3A_477 = tpu.vector_load %arg6[%get3A_475, %get3A_476] {strides = array<i32>} : memref<200x128xf32, #tpu.memory_space<vmem>>, vector<1x16xf32>,
        %get3A_478 = vector.shape_cast %get3A_477 : vector<1x16xf32> to vector<16xf32>
        %swap3A_479 = arith.index_cast %scan3A_449 : i32 to index
        %swap3A_480 = arith.constant 48 : index
        %swap3A_481 = tpu.vector_load %arg14[%swap3A_479, %swap3A_480] {strides = array<i32>} : memref<200x128xf32, #tpu.memory_space<vmem>>, vector<1x16xf32>,
        %swap3A_482 = vector.shape_cast %swap3A_481 : vector<1x16xf32> to vector<16xf32>
        %swap3A_483 = vector.shape_cast %get3A_478 : vector<16xf32> to vector<1x16xf32>
        tpu.vector_store %arg14[%swap3A_479, %swap3A_480], %swap3A_483 {add = true, strides = array<i32>} : memref<200x128xf32, #tpu.memory_space<vmem>>, vector<1x16xf32>,
        %get3A_484 = arith.index_cast %scan3A_449 : i32 to index
        %get3A_485 = arith.constant 64 : index
        %get3A_486 = tpu.vector_load %arg6[%get3A_484, %get3A_485] {strides = array<i32>} : memref<200x128xf32, #tpu.memory_space<vmem>>, vector<1x16xf32>,
        %get3A_487 = vector.shape_cast %get3A_486 : vector<1x16xf32> to vector<16xf32>
        %swap3A_488 = arith.index_cast %scan3A_449 : i32 to index
        %swap3A_489 = arith.constant 64 : index
        %swap3A_490 = tpu.vector_load %arg14[%swap3A_488, %swap3A_489] {strides = array<i32>} : memref<200x128xf32, #tpu.memory_space<vmem>>, vector<1x16xf32>,
        %swap3A_491 = vector.shape_cast %swap3A_490 : vector<1x16xf32> to vector<16xf32>
        %swap3A_492 = vector.shape_cast %get3A_487 : vector<16xf32> to vector<1x16xf32>
        tpu.vector_store %arg14[%swap3A_488, %swap3A_489], %swap3A_492 {add = true, strides = array<i32>} : memref<200x128xf32, #tpu.memory_space<vmem>>, vector<1x16xf32>,
        %get3A_493 = arith.index_cast %scan3A_449 : i32 to index
        %get3A_494 = arith.constant 80 : index
        %get3A_495 = tpu.vector_load %arg6[%get3A_493, %get3A_494] {strides = array<i32>} : memref<200x128xf32, #tpu.memory_space<vmem>>, vector<1x16xf32>,
        %get3A_496 = vector.shape_cast %get3A_495 : vector<1x16xf32> to vector<16xf32>
        %swap3A_497 = arith.index_cast %scan3A_449 : i32 to index
        %swap3A_498 = arith.constant 80 : index
        %swap3A_499 = tpu.vector_load %arg14[%swap3A_497, %swap3A_498] {strides = array<i32>} : memref<200x128xf32, #tpu.memory_space<vmem>>, vector<1x16xf32>,
        %swap3A_500 = vector.shape_cast %swap3A_499 : vector<1x16xf32> to vector<16xf32>
        %swap3A_501 = vector.shape_cast %get3A_496 : vector<16xf32> to vector<1x16xf32>
        tpu.vector_store %arg14[%swap3A_497, %swap3A_498], %swap3A_501 {add = true, strides = array<i32>} : memref<200x128xf32, #tpu.memory_space<vmem>>, vector<1x16xf32>,
        %get3A_502 = arith.index_cast %scan3A_449 : i32 to index
        %get3A_503 = arith.constant 96 : index
        %get3A_504 = tpu.vector_load %arg6[%get3A_502, %get3A_503] {strides = array<i32>} : memref<200x128xf32, #tpu.memory_space<vmem>>, vector<1x16xf32>,
        %get3A_505 = vector.shape_cast %get3A_504 : vector<1x16xf32> to vector<16xf32>
        %swap3A_506 = arith.index_cast %scan3A_449 : i32 to index
        %swap3A_507 = arith.constant 96 : index
        %swap3A_508 = tpu.vector_load %arg14[%swap3A_506, %swap3A_507] {strides = array<i32>} : memref<200x128xf32, #tpu.memory_space<vmem>>, vector<1x16xf32>,
        %swap3A_509 = vector.shape_cast %swap3A_508 : vector<1x16xf32> to vector<16xf32>
        %swap3A_510 = vector.shape_cast %get3A_505 : vector<16xf32> to vector<1x16xf32>
        tpu.vector_store %arg14[%swap3A_506, %swap3A_507], %swap3A_510 {add = true, strides = array<i32>} : memref<200x128xf32, #tpu.memory_space<vmem>>, vector<1x16xf32>,
        %get3A_511 = arith.index_cast %scan3A_449 : i32 to index
        %get3A_512 = arith.constant 112 : index
        %get3A_513 = tpu.vector_load %arg6[%get3A_511, %get3A_512] {strides = array<i32>} : memref<200x128xf32, #tpu.memory_space<vmem>>, vector<1x16xf32>,
        %get3A_514 = vector.shape_cast %get3A_513 : vector<1x16xf32> to vector<16xf32>
        %swap3A_515 = arith.index_cast %scan3A_449 : i32 to index
        %swap3A_516 = arith.constant 112 : index
        %swap3A_517 = tpu.vector_load %arg14[%swap3A_515, %swap3A_516] {strides = array<i32>} : memref<200x128xf32, #tpu.memory_space<vmem>>, vector<1x16xf32>,
        %swap3A_518 = vector.shape_cast %swap3A_517 : vector<1x16xf32> to vector<16xf32>
        %swap3A_519 = vector.shape_cast %get3A_514 : vector<16xf32> to vector<1x16xf32>
        tpu.vector_store %arg14[%swap3A_515, %swap3A_516], %swap3A_519 {add = true, strides = array<i32>} : memref<200x128xf32, #tpu.memory_space<vmem>>, vector<1x16xf32>,
      }
      %scan3A_395 = arith.constant 96 : i32
      %add3A_396 = arith.addi %mul3A_2, %add3A_367 : i32
      %mul3A_397 = arith.constant 200 : i32
      %mul3A_398 = arith.muli %add3A_396, %mul3A_397 : i32
      %add3A_399 = arith.constant 0 : i32
      %add3A_400 = arith.addi %mul3A_398, %add3A_399 : i32
      %dma_start3A_401 = arith.constant 0 : i32
      %dma_start3A_402 = arith.constant 0 : i32
      %dma_start3A_403 = tpu.memref_slice %arg14[%dma_start3A_401, %dma_start3A_402] : memref<200x128xf32, #tpu.memory_space<vmem>> -> memref<96x128xf32, #tpu.memory_space<vmem>>
      %dma_start3A_404 = arith.constant 0 : i32
      %dma_start3A_405 = tpu.memref_slice %arg5[%add3A_400, %dma_start3A_404] : memref<204800x128xf32, #tpu.memory_space<hbm>> -> memref<96x128xf32, #tpu.memory_space<hbm>>
      %dma_start3A_406 = arith.constant 0 : i32
      %dma_start3A_407 = tpu.memref_slice %arg5[%add3A_400, %dma_start3A_406] : memref<204800x128xf32, #tpu.memory_space<hbm>> -> memref<96x128xf32, #tpu.memory_space<hbm>>
      %dma_start3A_408 = arith.constant 0 : i32
      %dma_start3A_409 = arith.constant 0 : i32
      %dma_start3A_410 = tpu.memref_slice %arg14[%dma_start3A_408, %dma_start3A_409] : memref<200x128xf32, #tpu.memory_space<vmem>> -> memref<96x128xf32, #tpu.memory_space<vmem>>
      tpu.enqueue_dma source(%dma_start3A_410 : memref<96x128xf32, #tpu.memory_space<vmem>>) target(%dma_start3A_407 : memref<96x128xf32, #tpu.memory_space<hbm>>) target_semaphore(%arg30 : memref<!tpu.dma_semaphore, #tpu.memory_space<semaphore_mem>>)
      %dma_wait3A_411 = arith.constant 1 : i32
      %dma_wait3A_412 = arith.constant 100 : i32
      %dma_wait3A_413 = arith.constant 0 : i32
      %dma_wait3A_414 = tpu.memref_slice %arg14[%dma_wait3A_412, %dma_wait3A_413] : memref<200x128xf32, #tpu.memory_space<vmem>> -> memref<100x128xf32, #tpu.memory_space<vmem>>
      %dma_wait3A_415 = arith.constant 0 : i32
      %dma_wait3A_416 = tpu.memref_slice %arg10[%dma_wait3A_411, %dma_wait3A_415] : memref<2x100xi32, #tpu.memory_space<vmem>> -> memref<1x100xi32, #tpu.memory_space<vmem>>
      %dma_wait3A_417 = tpu.memref_squeeze %dma_wait3A_416 : memref<1x100xi32, #tpu.memory_space<vmem>> -> memref<100xi32, #tpu.memory_space<vmem>>
      %dma_wait3A_418 = arith.constant 0 : i32
      %dma_wait3A_419 = arith.constant 0 : i32
      %dma_wait3A_420 = tpu.memref_slice %arg3[%dma_wait3A_418, %dma_wait3A_419] : memref<100000x128xf32, #tpu.memory_space<hbm>> -> memref<100000x128xf32, #tpu.memory_space<hbm>>
      tpu.wait_indirect_dma semaphore(%arg26 : memref<!tpu.dma_semaphore, #tpu.memory_space<semaphore_mem>>) src(%dma_wait3A_420 : memref<100000x128xf32, #tpu.memory_space<hbm>>) dst(%dma_wait3A_414 : memref<100x128xf32, #tpu.memory_space<vmem>>)
      %add3A_421 = arith.constant 4 : i32
      %add3A_422 = arith.addi %add3A_367, %add3A_421 : i32
      %lt3A_423 = arith.constant 32 : i32
      %lt3A_424 = arith.cmpi slt, %add3A_422, %lt3A_423 : i32
      %convert_element_type3A_425 = arith.extui %lt3A_424 : i1 to i32
      %cond3A_426 = arith.constant 0 : i32
      %cond3A_427 = arith.cmpi ne, %convert_element_type3A_425, %cond3A_426 : i32
      scf.if %cond3A_427 {
        %add3A_449 = arith.addi %mul3A_2, %add3A_367 : i32
        %add3A_450 = arith.constant 4 : i32
        %add3A_451 = arith.addi %add3A_449, %add3A_450 : i32
        %dma_start3A_452 = arith.constant 0 : i32
        %dma_start3A_453 = arith.constant 0 : i32
        %dma_start3A_454 = tpu.memref_slice %arg2[%add3A_451, %dma_start3A_452, %dma_start3A_453] : memref<1024x2x100xi32, #tpu.memory_space<hbm>> -> memref<1x2x100xi32, #tpu.memory_space<hbm>>
        %dma_start3A_455 = tpu.memref_squeeze %dma_start3A_454 : memref<1x2x100xi32, #tpu.memory_space<hbm>> -> memref<2x100xi32, #tpu.memory_space<hbm>>
        %dma_start3A_456 = arith.constant 0 : i32
        %dma_start3A_457 = arith.constant 0 : i32
        %dma_start3A_458 = tpu.memref_slice %arg2[%add3A_451, %dma_start3A_456, %dma_start3A_457] : memref<1024x2x100xi32, #tpu.memory_space<hbm>> -> memref<1x2x100xi32, #tpu.memory_space<hbm>>
        %dma_start3A_459 = tpu.memref_squeeze %dma_start3A_458 : memref<1x2x100xi32, #tpu.memory_space<hbm>> -> memref<2x100xi32, #tpu.memory_space<hbm>>
        tpu.enqueue_dma source(%dma_start3A_459 : memref<2x100xi32, #tpu.memory_space<hbm>>) target(%arg10 : memref<2x100xi32, #tpu.memory_space<vmem>>) target_semaphore(%arg18 : memref<!tpu.dma_semaphore, #tpu.memory_space<semaphore_mem>>)
      } else {
      }
      %scan3A_428 = arith.constant 0 : i32
      %scan3A_429 = arith.constant 96 : i32
      %scan3A_430 = arith.constant 104 : i32
      %scan3A_431 = arith.addi %scan3A_429, %scan3A_430 : i32
      %scan3A_432 = arith.constant 1 : i32
      scf.for %scan3A_449 = %scan3A_429 to %scan3A_431 step %scan3A_432  : i32 {
        %get3A = arith.index_cast %scan3A_449 : i32 to index
        %get3A_450 = arith.constant 0 : index
        %get3A_451 = tpu.vector_load %arg6[%get3A, %get3A_450] {strides = array<i32>} : memref<200x128xf32, #tpu.memory_space<vmem>>, vector<1x16xf32>,
        %get3A_452 = vector.shape_cast %get3A_451 : vector<1x16xf32> to vector<16xf32>
        %swap3A = arith.index_cast %scan3A_449 : i32 to index
        %swap3A_453 = arith.constant 0 : index
        %swap3A_454 = tpu.vector_load %arg14[%swap3A, %swap3A_453] {strides = array<i32>} : memref<200x128xf32, #tpu.memory_space<vmem>>, vector<1x16xf32>,
        %swap3A_455 = vector.shape_cast %swap3A_454 : vector<1x16xf32> to vector<16xf32>
        %swap3A_456 = vector.shape_cast %get3A_452 : vector<16xf32> to vector<1x16xf32>
        tpu.vector_store %arg14[%swap3A, %swap3A_453], %swap3A_456 {add = true, strides = array<i32>} : memref<200x128xf32, #tpu.memory_space<vmem>>, vector<1x16xf32>,
        %get3A_457 = arith.index_cast %scan3A_449 : i32 to index
        %get3A_458 = arith.constant 16 : index
        %get3A_459 = tpu.vector_load %arg6[%get3A_457, %get3A_458] {strides = array<i32>} : memref<200x128xf32, #tpu.memory_space<vmem>>, vector<1x16xf32>,
        %get3A_460 = vector.shape_cast %get3A_459 : vector<1x16xf32> to vector<16xf32>
        %swap3A_461 = arith.index_cast %scan3A_449 : i32 to index
        %swap3A_462 = arith.constant 16 : index
        %swap3A_463 = tpu.vector_load %arg14[%swap3A_461, %swap3A_462] {strides = array<i32>} : memref<200x128xf32, #tpu.memory_space<vmem>>, vector<1x16xf32>,
        %swap3A_464 = vector.shape_cast %swap3A_463 : vector<1x16xf32> to vector<16xf32>
        %swap3A_465 = vector.shape_cast %get3A_460 : vector<16xf32> to vector<1x16xf32>
        tpu.vector_store %arg14[%swap3A_461, %swap3A_462], %swap3A_465 {add = true, strides = array<i32>} : memref<200x128xf32, #tpu.memory_space<vmem>>, vector<1x16xf32>,
        %get3A_466 = arith.index_cast %scan3A_449 : i32 to index
        %get3A_467 = arith.constant 32 : index
        %get3A_468 = tpu.vector_load %arg6[%get3A_466, %get3A_467] {strides = array<i32>} : memref<200x128xf32, #tpu.memory_space<vmem>>, vector<1x16xf32>,
        %get3A_469 = vector.shape_cast %get3A_468 : vector<1x16xf32> to vector<16xf32>
        %swap3A_470 = arith.index_cast %scan3A_449 : i32 to index
        %swap3A_471 = arith.constant 32 : index
        %swap3A_472 = tpu.vector_load %arg14[%swap3A_470, %swap3A_471] {strides = array<i32>} : memref<200x128xf32, #tpu.memory_space<vmem>>, vector<1x16xf32>,
        %swap3A_473 = vector.shape_cast %swap3A_472 : vector<1x16xf32> to vector<16xf32>
        %swap3A_474 = vector.shape_cast %get3A_469 : vector<16xf32> to vector<1x16xf32>
        tpu.vector_store %arg14[%swap3A_470, %swap3A_471], %swap3A_474 {add = true, strides = array<i32>} : memref<200x128xf32, #tpu.memory_space<vmem>>, vector<1x16xf32>,
        %get3A_475 = arith.index_cast %scan3A_449 : i32 to index
        %get3A_476 = arith.constant 48 : index
        %get3A_477 = tpu.vector_load %arg6[%get3A_475, %get3A_476] {strides = array<i32>} : memref<200x128xf32, #tpu.memory_space<vmem>>, vector<1x16xf32>,
        %get3A_478 = vector.shape_cast %get3A_477 : vector<1x16xf32> to vector<16xf32>
        %swap3A_479 = arith.index_cast %scan3A_449 : i32 to index
        %swap3A_480 = arith.constant 48 : index
        %swap3A_481 = tpu.vector_load %arg14[%swap3A_479, %swap3A_480] {strides = array<i32>} : memref<200x128xf32, #tpu.memory_space<vmem>>, vector<1x16xf32>,
        %swap3A_482 = vector.shape_cast %swap3A_481 : vector<1x16xf32> to vector<16xf32>
        %swap3A_483 = vector.shape_cast %get3A_478 : vector<16xf32> to vector<1x16xf32>
        tpu.vector_store %arg14[%swap3A_479, %swap3A_480], %swap3A_483 {add = true, strides = array<i32>} : memref<200x128xf32, #tpu.memory_space<vmem>>, vector<1x16xf32>,
        %get3A_484 = arith.index_cast %scan3A_449 : i32 to index
        %get3A_485 = arith.constant 64 : index
        %get3A_486 = tpu.vector_load %arg6[%get3A_484, %get3A_485] {strides = array<i32>} : memref<200x128xf32, #tpu.memory_space<vmem>>, vector<1x16xf32>,
        %get3A_487 = vector.shape_cast %get3A_486 : vector<1x16xf32> to vector<16xf32>
        %swap3A_488 = arith.index_cast %scan3A_449 : i32 to index
        %swap3A_489 = arith.constant 64 : index
        %swap3A_490 = tpu.vector_load %arg14[%swap3A_488, %swap3A_489] {strides = array<i32>} : memref<200x128xf32, #tpu.memory_space<vmem>>, vector<1x16xf32>,
        %swap3A_491 = vector.shape_cast %swap3A_490 : vector<1x16xf32> to vector<16xf32>
        %swap3A_492 = vector.shape_cast %get3A_487 : vector<16xf32> to vector<1x16xf32>
        tpu.vector_store %arg14[%swap3A_488, %swap3A_489], %swap3A_492 {add = true, strides = array<i32>} : memref<200x128xf32, #tpu.memory_space<vmem>>, vector<1x16xf32>,
        %get3A_493 = arith.index_cast %scan3A_449 : i32 to index
        %get3A_494 = arith.constant 80 : index
        %get3A_495 = tpu.vector_load %arg6[%get3A_493, %get3A_494] {strides = array<i32>} : memref<200x128xf32, #tpu.memory_space<vmem>>, vector<1x16xf32>,
        %get3A_496 = vector.shape_cast %get3A_495 : vector<1x16xf32> to vector<16xf32>
        %swap3A_497 = arith.index_cast %scan3A_449 : i32 to index
        %swap3A_498 = arith.constant 80 : index
        %swap3A_499 = tpu.vector_load %arg14[%swap3A_497, %swap3A_498] {strides = array<i32>} : memref<200x128xf32, #tpu.memory_space<vmem>>, vector<1x16xf32>,
        %swap3A_500 = vector.shape_cast %swap3A_499 : vector<1x16xf32> to vector<16xf32>
        %swap3A_501 = vector.shape_cast %get3A_496 : vector<16xf32> to vector<1x16xf32>
        tpu.vector_store %arg14[%swap3A_497, %swap3A_498], %swap3A_501 {add = true, strides = array<i32>} : memref<200x128xf32, #tpu.memory_space<vmem>>, vector<1x16xf32>,
        %get3A_502 = arith.index_cast %scan3A_449 : i32 to index
        %get3A_503 = arith.constant 96 : index
        %get3A_504 = tpu.vector_load %arg6[%get3A_502, %get3A_503] {strides = array<i32>} : memref<200x128xf32, #tpu.memory_space<vmem>>, vector<1x16xf32>,
        %get3A_505 = vector.shape_cast %get3A_504 : vector<1x16xf32> to vector<16xf32>
        %swap3A_506 = arith.index_cast %scan3A_449 : i32 to index
        %swap3A_507 = arith.constant 96 : index
        %swap3A_508 = tpu.vector_load %arg14[%swap3A_506, %swap3A_507] {strides = array<i32>} : memref<200x128xf32, #tpu.memory_space<vmem>>, vector<1x16xf32>,
        %swap3A_509 = vector.shape_cast %swap3A_508 : vector<1x16xf32> to vector<16xf32>
        %swap3A_510 = vector.shape_cast %get3A_505 : vector<16xf32> to vector<1x16xf32>
        tpu.vector_store %arg14[%swap3A_506, %swap3A_507], %swap3A_510 {add = true, strides = array<i32>} : memref<200x128xf32, #tpu.memory_space<vmem>>, vector<1x16xf32>,
        %get3A_511 = arith.index_cast %scan3A_449 : i32 to index
        %get3A_512 = arith.constant 112 : index
        %get3A_513 = tpu.vector_load %arg6[%get3A_511, %get3A_512] {strides = array<i32>} : memref<200x128xf32, #tpu.memory_space<vmem>>, vector<1x16xf32>,
        %get3A_514 = vector.shape_cast %get3A_513 : vector<1x16xf32> to vector<16xf32>
        %swap3A_515 = arith.index_cast %scan3A_449 : i32 to index
        %swap3A_516 = arith.constant 112 : index
        %swap3A_517 = tpu.vector_load %arg14[%swap3A_515, %swap3A_516] {strides = array<i32>} : memref<200x128xf32, #tpu.memory_space<vmem>>, vector<1x16xf32>,
        %swap3A_518 = vector.shape_cast %swap3A_517 : vector<1x16xf32> to vector<16xf32>
        %swap3A_519 = vector.shape_cast %get3A_514 : vector<16xf32> to vector<1x16xf32>
        tpu.vector_store %arg14[%swap3A_515, %swap3A_516], %swap3A_519 {add = true, strides = array<i32>} : memref<200x128xf32, #tpu.memory_space<vmem>>, vector<1x16xf32>,
      }
      %scan3A_433 = arith.constant 104 : i32
      %add3A_434 = arith.addi %mul3A_2, %add3A_367 : i32
      %mul3A_435 = arith.constant 200 : i32
      %mul3A_436 = arith.muli %add3A_434, %mul3A_435 : i32
      %add3A_437 = arith.constant 96 : i32
      %add3A_438 = arith.addi %mul3A_436, %add3A_437 : i32
      %dma_start3A_439 = arith.constant 96 : i32
      %dma_start3A_440 = arith.constant 0 : i32
      %dma_start3A_441 = tpu.memref_slice %arg14[%dma_start3A_439, %dma_start3A_440] : memref<200x128xf32, #tpu.memory_space<vmem>> -> memref<104x128xf32, #tpu.memory_space<vmem>>
      %dma_start3A_442 = arith.constant 0 : i32
      %dma_start3A_443 = tpu.memref_slice %arg5[%add3A_438, %dma_start3A_442] : memref<204800x128xf32, #tpu.memory_space<hbm>> -> memref<104x128xf32, #tpu.memory_space<hbm>>
      %dma_start3A_444 = arith.constant 0 : i32
      %dma_start3A_445 = tpu.memref_slice %arg5[%add3A_438, %dma_start3A_444] : memref<204800x128xf32, #tpu.memory_space<hbm>> -> memref<104x128xf32, #tpu.memory_space<hbm>>
      %dma_start3A_446 = arith.constant 96 : i32
      %dma_start3A_447 = arith.constant 0 : i32
      %dma_start3A_448 = tpu.memref_slice %arg14[%dma_start3A_446, %dma_start3A_447] : memref<200x128xf32, #tpu.memory_space<vmem>> -> memref<104x128xf32, #tpu.memory_space<vmem>>
      tpu.enqueue_dma source(%dma_start3A_448 : memref<104x128xf32, #tpu.memory_space<vmem>>) target(%dma_start3A_445 : memref<104x128xf32, #tpu.memory_space<hbm>>) target_semaphore(%arg30 : memref<!tpu.dma_semaphore, #tpu.memory_space<semaphore_mem>>)
    }
    %scan3A_99 = arith.constant 8 : i32
    %dma_wait3A_100 = arith.constant 0 : i32
    %dma_wait3A_101 = arith.constant 0 : i32
    %dma_wait3A_102 = tpu.memref_slice %arg5[%dma_wait3A_100, %dma_wait3A_101] : memref<204800x128xf32, #tpu.memory_space<hbm>> -> memref<200x128xf32, #tpu.memory_space<hbm>>
    %dma_wait3A_103 = arith.constant 0 : i32
    %dma_wait3A_104 = arith.constant 0 : i32
    %dma_wait3A_105 = tpu.memref_slice %arg5[%dma_wait3A_103, %dma_wait3A_104] : memref<204800x128xf32, #tpu.memory_space<hbm>> -> memref<200x128xf32, #tpu.memory_space<hbm>>
    tpu.wait_dma2 semaphore(%arg29 : memref<!tpu.dma_semaphore, #tpu.memory_space<semaphore_mem>>) src(%arg13 : memref<200x128xf32, #tpu.memory_space<vmem>>) dst(%dma_wait3A_105 : memref<200x128xf32, #tpu.memory_space<hbm>>)
    %dma_wait3A_106 = arith.constant 0 : i32
    %dma_wait3A_107 = arith.constant 0 : i32
    %dma_wait3A_108 = tpu.memref_slice %arg5[%dma_wait3A_106, %dma_wait3A_107] : memref<204800x128xf32, #tpu.memory_space<hbm>> -> memref<200x128xf32, #tpu.memory_space<hbm>>
    %dma_wait3A_109 = arith.constant 0 : i32
    %dma_wait3A_110 = arith.constant 0 : i32
    %dma_wait3A_111 = tpu.memref_slice %arg5[%dma_wait3A_109, %dma_wait3A_110] : memref<204800x128xf32, #tpu.memory_space<hbm>> -> memref<200x128xf32, #tpu.memory_space<hbm>>
    tpu.wait_dma2 semaphore(%arg30 : memref<!tpu.dma_semaphore, #tpu.memory_space<semaphore_mem>>) src(%arg14 : memref<200x128xf32, #tpu.memory_space<vmem>>) dst(%dma_wait3A_111 : memref<200x128xf32, #tpu.memory_space<hbm>>)
    return
  }
}

</mosaic_0001>

<sc_bundles>
// kernel: kernel.3.cloned.1.call-start
scs
__scs_entry_jumppad:
0x0: {  	(pc) =	sbr.rel $0x88, $3  }
0x1: {  	(tag) =	ssettag $0x0;
	lr =	simm.s32 $0x1  }
0x2: {  	[smem:$0x3F9E] =	sst lr;
	_ =	strace $0xD0000000  }
0x3: {  	_ = 	snop  }
0x4: {  	_ = 	snop  }
0x5: {  	_ = 	snop  }
0x6: {  	_ = 	snop  }
0x7: {  	_ = 	snop  }
__scs_overlays_trampoline_lowered:
0x8: {  	[smem:$0x3FAD] =	sst s0  }
0x9: {  	[smem:$0x3FAE] =	sst s1  }
0xa: {  	[smem:$0x3FAF] =	sst s2  }
0xb: {  	[smem:$0x3FB0] =	sst s3  }
0xc: {  	[smem:$0x3FB1] =	sst s4  }
0xd: {  	[smem:$0x3FB2] =	sst s5  }
0xe: {  	[smem:$0x3FB3] =	sst s6  }
0xf: {  	[smem:$0x3FB4] =	sst s7  }
0x10: {  	[smem:$0x3FB5] =	sst s8  }
0x11: {  	[smem:$0x3FB6] =	sst s9;
	s0 =	simm.s32 @!p0 $0x0  }
0x12: {  	s1 =	sld [smem:$0x3F9C];
	s0 =	simm.s32 @p0 $0x1  }
0x13: {  	[smem:$0x3FB7] =	sst s0;
	s0 =	simm.s32 @!p1 $0x0  }
0x14: {  	s2 =	sld [smem:$0x3F9B];
	s0 =	simm.s32 @p1 $0x1  }
0x15: {  	[smem:$0x3FB8] =	sst s0;
	s0 =	simm.s32 @!p2 $0x0  }
0x16: {  	s3 =	sld [smem:$0x3FDB];
	s0 =	simm.s32 @p2 $0x1  }
0x17: {  	s4 =	simm.s32 $0x1BF5;
	[smem:$0x3FBA] =	sst s0  }
0x18: {  	s0 =	sld [smem:$0x3F9D];
	_ =	swait.ge [sflag:s4], $0x0  }
0x19: {  	s7 =	sld [smem:$0x3F9E]  }
0x1a: {  	s8 =	sadd.s32 $0xFFFFE003, lr  }
0x1b: {  	s9 =	sadd.s32 $0xFFFFFEF7, lr;
	s5 =	simm.s32 $0xFFFFFFFF;
	p2 =	slt.u32 s8, $0xFFFFF086  }
0x1c: {  	p1 =	slt.u32 s9, $0xF7A;
	s5 =	simm.s32 @!p2 $0x0  }
0x1d: {  	s5 =	simm.s32 @p1 $0x1;
	p0 =	seq.s32 s7, s2  }
0x1e: {  	s7 =	smul.u32 @!p0 $0xF7A, s2;
	p2 =	seq.s32 @!p0 s5, $0x0  }
0x1f: {  	s9 =	smul.u32 $0xF7A, s1;
	s8 =	simm.s32 @!p0 $0x1BF5;
	p2 =	por !p2, p0  }
0x20: {  	[sflag:s8] =	ssyncset.s32 @!p0 $0xFFFFF086;
	s6 =	sadd.s32 @!p0 s3, s7;
	s7 =	simm.s32 @!p0 $0x108  }
0x21: {  	s3 =	sadd.s32 s3, s9;
	s6 =	sadd.s32 @!p0 $0x88, s6;
	s7 =	simm.s32 @p2 $0x1082  }
0x22: {  	[simem:s7], [sflag:s8] =	dma.local @!p0 [hbm:s6], $0xF7A  }
0x23: {  	s9 =	sor.u32 $0xD0000000, s2;
	s6 =	simm.s32 $0x108;
	_ =	swait.ge @!p0 [sflag:s8], $0x0  }
0x24: {  	s3 =	sadd.s32 $0x88, s3;
	s6 =	simm.s32 @!p1 $0x1082;
	[sflag:s4] =	ssyncset.s32 $0xFFFFF086  }
0x25: {  	[simem:s6], [sflag:s4] =	dma.local [hbm:s3], $0xF7A  }
0x26: {  	[smem:$0x3F9E] =	sst s1;
	(tag) =	ssettag s2;
	_ =	strace s9  }
0x27: {  	s1 =	sld [smem:$0x3FAE]  }
0x28: {  	s2 =	sld [smem:$0x3FAF]  }
0x29: {  	s4 =	sld [smem:$0x3FB1]  }
0x2a: {  	p0 =	seq.s32 s5, $0x0;
	s5 =	sld [smem:$0x3FB2]  }
0x2b: {  	s6 =	sld [smem:$0x3FB3]  }
0x2c: {  	s7 =	sld [smem:$0x3FB4]  }
0x2d: {  	s3 =	simm.s32 $0x108;
	s8 =	sld [smem:$0x3FB5]  }
0x2e: {  	s3 =	simm.s32 @!p0 $0x1082;
	s9 =	sld [smem:$0x3FB6]  }
0x2f: {  	lr =	sadd.s32 s0, s3;
	s0 =	sld [smem:$0x3FAD]  }
0x30: {  	s3 =	sld [smem:$0x3FB0]  }
0x31: {  	[smem:$0x3FB9] =	sst s10  }
0x32: {  	s10 =	sld [smem:$0x3FB7];
	_ =	sdelay $0x3  }
0x33: {  	p0 =	seq.s32 s10, $0x1;
	s10 =	sld [smem:$0x3FB9];
	_ =	sdelay $0x3  }
0x34: {  	[smem:$0x3FB9] =	sst s10  }
0x35: {  	s10 =	sld [smem:$0x3FB8];
	_ =	sdelay $0x3  }
0x36: {  	p1 =	seq.s32 s10, $0x1;
	s10 =	sld [smem:$0x3FB9];
	_ =	sdelay $0x3  }
0x37: {  	[smem:$0x3FB9] =	sst s10  }
0x38: {  	s10 =	sld [smem:$0x3FBA]  }
0x39: {  	_ = 	snop;
	(pc) =	sbr.ind lr, $3  }
0x3a: {  	_ = 	snop  }
0x3b: {  	_ = 	snop  }
0x3c: {  	p2 =	seq.s32 s10, $0x1;
	s10 =	sld [smem:$0x3FB9]  }
0x3d: {  	_ =	shalt  }
0x3e: {  	_ =	shalt  }
0x3f: {  	_ =	shalt  }
0x40: {  	_ =	shalt  }
0x41: {  	_ =	shalt  }
0x42: {  	_ =	shalt  }
0x43: {  	_ =	shalt  }
0x44: {  	_ =	shalt  }
0x45: {  	_ =	shalt  }
0x46: {  	_ =	shalt  }
0x47: {  	_ =	shalt  }
0x48: {  	_ =	shalt  }
0x49: {  	_ =	shalt  }
0x4a: {  	_ =	shalt  }
0x4b: {  	_ =	shalt  }
0x4c: {  	_ =	shalt  }
0x4d: {  	_ =	shalt  }
0x4e: {  	_ =	shalt  }
0x4f: {  	_ =	shalt  }
0x50: {  	_ =	shalt  }
0x51: {  	_ =	shalt  }
0x52: {  	_ =	shalt  }
0x53: {  	_ =	shalt  }
0x54: {  	_ =	shalt  }
0x55: {  	_ =	shalt  }
0x56: {  	_ =	shalt  }
0x57: {  	_ =	shalt  }
0x58: {  	_ =	shalt  }
0x59: {  	_ =	shalt  }
0x5a: {  	_ =	shalt  }
0x5b: {  	_ =	shalt  }
0x5c: {  	_ =	shalt  }
0x5d: {  	_ =	shalt  }
0x5e: {  	_ =	shalt  }
0x5f: {  	_ =	shalt  }
0x60: {  	_ =	shalt  }
0x61: {  	_ =	shalt  }
0x62: {  	_ =	shalt  }
0x63: {  	_ =	shalt  }
0x64: {  	_ =	shalt  }
0x65: {  	_ =	shalt  }
0x66: {  	_ =	shalt  }
0x67: {  	_ =	shalt  }
0x68: {  	_ =	shalt  }
0x69: {  	_ =	shalt  }
0x6a: {  	_ =	shalt  }
0x6b: {  	_ =	shalt  }
0x6c: {  	_ =	shalt  }
0x6d: {  	_ =	shalt  }
0x6e: {  	_ =	shalt  }
0x6f: {  	_ =	shalt  }
0x70: {  	_ =	shalt  }
0x71: {  	_ =	shalt  }
0x72: {  	_ =	shalt  }
0x73: {  	_ =	shalt  }
0x74: {  	_ =	shalt  }
0x75: {  	_ =	shalt  }
0x76: {  	_ =	shalt  }
0x77: {  	_ =	shalt  }
0x78: {  	_ =	shalt  }
0x79: {  	_ =	shalt  }
0x7a: {  	_ =	shalt  }
0x7b: {  	_ =	shalt  }
0x7c: {  	_ =	shalt  }
0x7d: {  	_ =	shalt  }
0x7e: {  	_ =	shalt  }
0x7f: {  	_ =	shalt  }
0x80: {  	_ =	shalt  }
0x81: {  	_ =	shalt  }
0x82: {  	_ =	shalt  }
0x83: {  	_ =	shalt  }
0x84: {  	_ =	shalt  }
0x85: {  	_ =	shalt  }
0x86: {  	_ =	shalt  }
0x87: {  	_ =	shalt  }
.Lfunc_end0:
.L_simem_size_0:
called_computation_lowered:
.L_overlay_start_0:
0x88: {  	s2 =	sld [smem:$0x3FD9]  }
0x89: {  	s3 =	sld [smem:$0x3FFE];
	_ =	sdelay $0x1  }
0x8a: {  	s1 =	srdreg.scid  }
0x8b: {  	s0 =	sand.u32 $0x1, s1  }
0x8c: {  	s17 =	sshll.u32 s0, $0xA;
	s2 =	sadd.s32 s3, s2  }
0x8d: {  	s2 =	sadd.s32 s2, s17  }
0x8e: {  	[smem:$0x3FC5] =	sst s2  }
0x8f: {  	_ = 	snop  }
0x90: {  	s2 =	sld [smem:$0x3FC8]  }
0x91: {  	s18 =	sld [smem:$0x3FC7]  }
0x92: {  	s4 =	sld [smem:$0x3FD0];
	(tm) =	ssettm $0x1  }
0x93: {  	s5 =	sld [smem:$0x3FFB];
	_ =	sdelay $0x3  }
0x94: {  	_ =	strace s5  }
0x95: {  	s5 =	sld [smem:$0x3FFC];
	_ =	sdelay $0x3  }
0x96: {  	_ =	strace s5  }
0x97: {  	s5 =	sld [smem:$0x3FFD];
	_ =	sdelay $0x3  }
0x98: {  	_ =	strace s5  }
0x99: {  	_ =	strace $0x8FFFFFFF  }
0x9a: {  	s19 =	sld [smem:$0x3FDB];
	_ =	sdelay $0x1  }
0x9b: {  	s6 =	simm.s32 $_scs_section_size  }
0x9c: {  	s7 =	simm.s32 $_size__tile_overlayer_lowered;
	s8 =	simm.s32 $_tile_overlayer_lowered  }
0x9d: {  	s22 =	simm.s32 $0x1BFF;
	s21 =	sshll.u32 s8, $0x1;
	s5 =	sadd.s32 s6, s19  }
0x9e: {  	s9 =	simm.s32 $0x0;
	s20 =	sshll.u32 s7, $0x1;
	s7 =	sadd.s32 s21, s5  }
0x9f: {  	[timem:s9], [sflag:s22] =	dma.local [hbm:s7], s20  }
0xa0: {  	_ =	swait.ge [sflag:s22], s20  }
0xa1: {  	s6 =	ssub.s32 $0x0, s20;
	[sflag:s22] =	ssyncset.done $0x0  }
0xa2: {  	[sflag:s22] =	ssyncadd.s32 s6;
	_ =	sdelay $0x1  }
0xa3: {  	s23 =	simm.s32 $0x1B8B  }
0xa4: {  	_ =	swait.ge [sflag:s23], $0x1  }
0xa5: {  	[sflag:s23] =	ssyncset.done $0x0  }
0xa6: {  	s25 =	simm.s32 $0x1B8E;
	s24 =	sld [smem:$0x3FFE];
	[sflag:s23] =	ssyncadd.s32 $0xFFFFFFFF  }
0xa7: {  	s26 =	simm.s32 $execute0_lowered;
	[smem:$0x3FD2] =	sst s25  }
0xa8: {  	s7 =	sshll.u32 s26, $0x1;
	_ =	strace $0x80000046;
	[dreg:$0x1] =	wrdreg $0xFFFFFFFF  }
0xa9: {  	s28 =	simm.s32 $_size_execute0_lowered;
	s5 =	sadd.s32 s5, s7;
	[dreg:$0x0] =	wrdreg $0x0  }
0xaa: {  	s7 =	sshll.u32 s28, $0x1;
	[dreg:$0x2] =	wrdreg s5  }
0xab: {  	[dreg:$0x3] =	wrdreg s7  }
0xac: {  	[dreg:$0x4] =	wrdreg $0xC0  }
0xad: {  	_ =	task [dreg:s9], $0x5FFFF  }
0xae: {  	[dreg:$0x1] =	wrdreg $0xFFFFFFFF  }
0xaf: {  	[dreg:$0x0] =	wrdreg $0x60  }
0xb0: {  	[dreg:$0x2] =	wrdreg s24  }
0xb1: {  	[dreg:$0x3] =	wrdreg s2  }
0xb2: {  	[dreg:$0x4] =	wrdreg s18  }
0xb3: {  	[dreg:$0x5] =	wrdreg s4  }
0xb4: {  	[dreg:$0x6] =	wrdreg $0x9  }
0xb5: {  	_ =	task.clear_ibuf [dreg:s9], $0x7FFFF;
	_ =	strace $0x90000046  }
0xb6: {  	s29 =	simm.s32 $0x9;
	_ =	strace $0x80000048  }
0xb7: {  	_ =	swait.ge [sflag:s29], $0x1  }
0xb8: {  	[sflag:s29] =	ssyncadd.s32 $0xFFFFFFFF  }
0xb9: {  	_ =	strace $0x90000048  }
0xba: {  	_ =	sfence  }
0xbb: {  	s30 =	sld [smem:$0x0];
	_ =	sdelay $0x2  }
0xbc: {  	s31 =	sshll.u32 s1, $0xD;
	s1 =	sshrl.u32 s1, $0x2  }
0xbd: {  	s3 =	sand.u32 $0x4000, s31;
	s1 =	sadd.s32 s1, s30  }
0xbe: {  	s0 =	sor.u32 s3, s0;
	s1 =	sshll.u32 s1, $0x11  }
0xbf: {  	s0 =	sor.u32 s1, s0  }
0xc0: {  	s0 =	sadd.s32 $0x8F2B, s0  }
0xc1: {  	[sflag:s0] =	ssyncadd.remote.s32 $0x1  }
0xc2: {  	_ =	sfence.sel $0xFFFF  }
0xc3: {  	[dreg:$0x0] =	wrdreg $0xFFFFFFFF;
	(pc) =	sbr.abs _section_cstart, $3  }
0xc4: {  	[dreg:$0x1] =	wrdreg $0xFFFFFFFF  }
0xc5: {  	_ =	task.clear_ibuf [dreg:s9], $0x2FFFF;
	_ =	strace $0x9FFFFFFF  }
0xc6: {  	(tm) =	ssettm $0x7FFFFFFF  }
0xc7: {  	_ =	shalt  }
tec
execute0_lowered:
.L_overlay_start_1:
0x0: {  	(tag) =	ssettag $0x1  }
0x1: {  	s0 =	rddreg [dreg:$0x0]  }
0x2: {  	s2 =	rddreg [dreg:$0x1]  }
0x3: {  	s1 =	srdreg.scid;
	s4 =	rddreg [dreg:$0x3]  }
0x4: {  	s3 =	stileid.u32;
	s5 =	simm.s32 $0x0;
	s16 =	simm.s32 $0x64  }
0x5: {  	s21 =	simm.s32 $0xCC00;
	s28 =	simm.s32 $0x3;
	s29 =	simm.s32 $0x13000  }
0x6: {  	s18 =	simm.s32 $0x4;
	s19 =	simm.s32 $0x19400;
	s13 =	simm.s32 $0x7  }
0x7: {  	s14 =	simm.s32 $0x8;
	s8 =	simm.s32 $0xD;
	s9 =	simm.s32 $0x9  }
0x8: {  	s10 =	simm.s32 $0xA;
	s12 =	simm.s32 $0x16000;
	s1 =	sand.u32 $0x1, s1  }
0x9: {  	s3 =	sshll.u32 s3, $0x6;
	s6 =	sshll.u32 s1, $0x5;
	s1 =	ssub.s32 $0x2, s1  }
0xa: {  	s15 =	simm.s32 $0xE;
	s6 =	sor.u32 s6, s3;
	s7 =	sshrl.u32 s1, $0x1  }
0xb: {  	s20 =	simm.s32 $0xB;
	s3 =	sshll.u32 s6, $0x5;
	s1 =	ssub.s32 s1, s7  }
0xc: {  	[smem:$0x7FF] =	sst s5;
	s3 =	sadd.s32 s3, s0;
	s31 =	smax.u32 s1, $0x1  }
0xd: {  	_ =	strace $0x80000047;
	s24 =	sadd.s32 $0x400, s3;
	[dreg:$0x9] =	wrdreg s31  }
0xe: {  	s30 =	simm.s32 $0x1C400;
	s25 =	sadd.s32 $0x420, s3;
	[dreg:$0x5] =	wrdreg s24  }
0xf: {  	s17 =	simm.s32 $0x0;
	s26 =	sadd.s32 $0x440, s3;
	[dreg:$0x6] =	wrdreg s25  }
0x10: {  	s11 =	sadd.s32 $0x480, s0;
	s3 =	sadd.s32 $0x460, s3;
	[dreg:$0x7] =	wrdreg s26  }
0x11: {  	s0 =	simm.s32 $0x5;
	s1 =	simm.s32 $0x6;
	[dreg:$0x8] =	wrdreg s3  }
0x12: {  	s24 =	simm.s32 $0x6600;
	s25 =	simm.s32 $0x6700;
	s26 =	simm.s32 $0xC  }
.LBB2_1:
0x13: {  	[dreg:$0xa] =	wrdreg s17  }
0x14: {  	s3 =	rddreg [dreg:$0x2]  }
0x15: {  	[tilespmem:s5], [sflag:$0x11] =	stream.linear.gather [hbm4b:s3+s5], $0x6400, $0x38;
	[tilespmem:$0x1F800] =	vst v63  }
0x16: {  	s22 =	rddreg [dreg:$0x5];
	s7 =	simm.s32 $0x6400  }
0x17: {  	[tilespmem:s7], [sflag:$0x1] =	stream.linear.gather [hbm4b:s22+s5], $0x100, $0x38;
	[tilespmem:$0x1F800] =	vst v63  }
0x18: {  	s23 =	rddreg [dreg:$0x6];
	s17 =	simm.s32 $0x6500;
	s22 =	simm.s32 $0x1  }
0x19: {  	[tilespmem:s17], [sflag:$0x2] =	stream.linear.gather [hbm4b:s23+s5], $0x100, $0x38;
	[tilespmem:$0x1F800] =	vst v63  }
0x1a: {  	_ =	swait.ge [sflag:s22], $0x100  }
0x1b: {  	[sflag:s22] =	ssyncset.done $0x0  }
0x1c: {  	s23 =	simm.s32 $0x6800;
	[sflag:s22] =	ssyncadd.s32 $0xFFFFFF00  }
0x1d: {  	[tilespmem:s23], [sflag:$0x5] =	stream.indirect.gather [hbm4b:s2+s16], $0x80, s7, s16, $0xb8;
	[tilespmem:$0x1F800] =	vst v63  }
0x1e: {  	s22 =	simm.s32 $0x6480;
	s23 =	simm.s32 $0x9A00;
	s7 =	simm.s32 $0x2  }
0x1f: {  	[tilespmem:s23], [sflag:$0x6] =	stream.indirect.gather [hbm4b:s2+s16], $0x80, s22, s16, $0xb8;
	[tilespmem:$0x1F800] =	vst v63  }
0x20: {  	_ =	swait.ge [sflag:s7], $0x100  }
0x21: {  	[sflag:s7] =	ssyncset.done $0x0  }
0x22: {  	[sflag:s7] =	ssyncadd.s32 $0xFFFFFF00  }
0x23: {  	[tilespmem:s21], [sflag:$0x7] =	stream.indirect.gather [hbm4b:s2+s16], $0x80, s17, s16, $0xb8;
	[tilespmem:$0x1F800] =	vst v63  }
0x24: {  	s22 =	simm.s32 $0x6580;
	s23 =	simm.s32 $0xFE00  }
0x25: {  	[tilespmem:s23], [sflag:$0x8] =	stream.indirect.gather [hbm4b:s2+s16], $0x80, s22, s16, $0xb8;
	[tilespmem:$0x1F800] =	vst v63  }
0x26: {  	s17 =	rddreg [dreg:$0x7]  }
0x27: {  	[tilespmem:s24], [sflag:$0x3] =	stream.linear.gather [hbm4b:s17+s5], $0x100, $0x38;
	[tilespmem:$0x1F800] =	vst v63  }
0x28: {  	s22 =	rddreg [dreg:$0x8];
	s23 =	simm.s32 $0x11  }
0x29: {  	[tilespmem:s25], [sflag:$0x4] =	stream.linear.gather [hbm4b:s22+s5], $0x100, $0x38;
	[tilespmem:$0x1F800] =	vst v63  }
0x2a: {  	_ =	swait.ge [sflag:s23], $0x6400  }
0x2b: {  	[sflag:s23] =	ssyncset.done $0x0  }
0x2c: {  	s31 =	simm.s32 $0x0;
	[sflag:s23] =	ssyncadd.s32 $0xFFFF9C00  }
.LBB2_2:
0x2d: {  	p1 =	seq.s32 s31, $0x0  }
0x2e: {  	s3 =	simm.s32 @!p1 $0xF  }
0x2f: {  	_ =	swait.ge @!p1 [sflag:s3], $0x6400  }
0x30: {  	[sflag:s3] =	ssyncset.done @!p1 $0x0  }
0x31: {  	[sflag:s3] =	ssyncadd.s32 @!p1 $0xFFFF9C00  }
0x32: {  	_ =	swait.ge [sflag:s28], $0x100  }
0x33: {  	[sflag:s28] =	ssyncset.done $0x0  }
0x34: {  	[sflag:s28] =	ssyncadd.s32 $0xFFFFFF00  }
0x35: {  	[tilespmem:s29], [sflag:$0x9] =	stream.indirect.gather [hbm4b:s2+s16], $0x80, s24, s16, $0xb8;
	[tilespmem:$0x1F800] =	vst v63  }
0x36: {  	s23 =	simm.s32 $0x6680;
	s7 =	simm.s32 $0x16200  }
0x37: {  	[tilespmem:s7], [sflag:$0xA] =	stream.indirect.gather [hbm4b:s2+s16], $0x80, s23, s16, $0xb8;
	[tilespmem:$0x1F800] =	vst v63  }
0x38: {  	_ =	swait.ge [sflag:s0], $0x3200  }
0x39: {  	s22 =	simm.s32 $0x0;
	[sflag:s0] =	ssyncset.done $0x0  }
0x3a: {  	s3 =	sshll.u32 s31, $0x2;
	s23 =	simm.s32 $0x200;
	[sflag:s0] =	ssyncadd.s32 $0xFFFFCE00  }
.LBB2_3:
0x3b: {  	p0 =	sne.s32 s23, $0xBE00;
	v0 =	vld [tilespmem:s22+$0x70]  }
0x3c: {  	v1 =	vld [tilespmem:s22+$0x0]  }
0x3d: {  	v2 =	vld [tilespmem:s22+$0x10]  }
0x3e: {  	v3 =	vld [tilespmem:s22+$0x20]  }
0x3f: {  	v4 =	vld [tilespmem:s22+$0x30]  }
0x40: {  	[tilespmem:s22+$0x6870] =	vst.add.f32.msk $0xffff, v0  }
0x41: {  	v0 =	vld [tilespmem:s22+$0x40]  }
0x42: {  	v5 =	vld [tilespmem:s22+$0x50]  }
0x43: {  	v6 =	vld [tilespmem:s22+$0x60]  }
0x44: {  	[tilespmem:s22+$0x6800] =	vst.add.f32.msk $0xffff, v1  }
0x45: {  	[tilespmem:s22+$0x6810] =	vst.add.f32.msk $0xffff, v2  }
.Ltmp0:
0x46: {  	[tilespmem:s22+$0x6820] =	vst.add.f32.msk $0xffff, v3;
	(pc) =	sbr.rel @p0 .LBB2_3-.Ltmp0, $4  }
0x47: {  	[tilespmem:s22+$0x6830] =	vst.add.f32.msk $0xffff, v4  }
0x48: {  	[tilespmem:s22+$0x6840] =	vst.add.f32.msk $0xffff, v0  }
0x49: {  	[tilespmem:s22+$0x6850] =	vst.add.f32.msk $0xffff, v5  }
0x4a: {  	[tilespmem:s22+$0x6860] =	vst.add.f32.msk $0xffff, v6;
	s22 =	sshra.s32 s23, $0x2;
	s23 =	sadd.s32 $0x200, s23  }
0x4b: {  	v0 =	vld [tilespmem:s22+$0x70]  }
0x4c: {  	v1 =	vld [tilespmem:s22+$0x0]  }
0x4d: {  	v2 =	vld [tilespmem:s22+$0x10]  }
0x4e: {  	v3 =	vld [tilespmem:s22+$0x20]  }
0x4f: {  	v4 =	vld [tilespmem:s22+$0x30]  }
0x50: {  	v63 =	vld [tilespmem:s22+$0x40]  }
0x51: {  	v5 =	vld [tilespmem:s22+$0x50]  }
0x52: {  	v6 =	vld [tilespmem:s22+$0x60]  }
0x53: {  	[tilespmem:s22+$0x6870] =	vst.add.f32.msk $0xffff, v0  }
0x54: {  	[tilespmem:s22+$0x6800] =	vst.add.f32.msk $0xffff, v1  }
0x55: {  	[tilespmem:s22+$0x6810] =	vst.add.f32.msk $0xffff, v2  }
0x56: {  	[tilespmem:s22+$0x6820] =	vst.add.f32.msk $0xffff, v3  }
0x57: {  	s3 =	sor.u32 s6, s3;
	[tilespmem:s22+$0x6830] =	vst.add.f32.msk $0xffff, v4  }
0x58: {  	s17 =	smul.u32 $0xC80, s3;
	[tilespmem:s22+$0x6840] =	vst.add.f32.msk $0xffff, v63  }
0x59: {  	[tilespmem:s22+$0x6850] =	vst.add.f32.msk $0xffff, v5  }
0x5a: {  	s7 =	simm.s32 $0x6800;
	s17 =	sadd.s32 s4, s17;
	[tilespmem:s22+$0x6860] =	vst.add.f32.msk $0xffff, v6  }
0x5b: {  	[hbm4b:s17+s5] =	stream.linear.scatter [tilespmem:s7], [sflag:$0xD], $0x3000, $0x38;
	[tilespmem:$0x1F800] =	vst v63  }
0x5c: {  	p0 =	seq.s32 s31, $0x7;
	_ =	swait.ge [sflag:s1], $0x3200  }
0x5d: {  	s23 =	simm.s32 @!p0 $0x6400;
	s17 =	sshll.u32 @!p0 s3, $0x5;
	[sflag:s1] =	ssyncset.done $0x0  }
0x5e: {  	s22 =	simm.s32 @!p0 $0x0;
	s17 =	sadd.s32 @!p0 s17, s11;
	[sflag:s1] =	ssyncadd.s32 $0xFFFFCE00  }
0x5f: {  	[tilespmem:s23], [sflag:$0x1] =	stream.linear.gather @!p0 [hbm4b:s17+s22], $0x100, $0x38;
	[tilespmem:$0x1F800] =	vst v63  }
0x60: {  	s22 =	simm.s32 $0x0;
	s23 =	simm.s32 $0x200  }
.LBB2_5:
0x61: {  	p2 =	sne.s32 s23, $0xCE00;
	v0 =	vld [tilespmem:s22+$0x3070]  }
0x62: {  	v1 =	vld [tilespmem:s22+$0x3000]  }
0x63: {  	v2 =	vld [tilespmem:s22+$0x3010]  }
0x64: {  	v3 =	vld [tilespmem:s22+$0x3020]  }
0x65: {  	v4 =	vld [tilespmem:s22+$0x3030]  }
0x66: {  	[tilespmem:s22+$0x9870] =	vst.add.f32.msk $0xffff, v0  }
0x67: {  	v0 =	vld [tilespmem:s22+$0x3040]  }
0x68: {  	v5 =	vld [tilespmem:s22+$0x3050]  }
0x69: {  	v6 =	vld [tilespmem:s22+$0x3060]  }
0x6a: {  	[tilespmem:s22+$0x9800] =	vst.add.f32.msk $0xffff, v1  }
0x6b: {  	[tilespmem:s22+$0x9810] =	vst.add.f32.msk $0xffff, v2  }
.Ltmp1:
0x6c: {  	[tilespmem:s22+$0x9820] =	vst.add.f32.msk $0xffff, v3;
	(pc) =	sbr.rel @p2 .LBB2_5-.Ltmp1, $4  }
0x6d: {  	[tilespmem:s22+$0x9830] =	vst.add.f32.msk $0xffff, v4  }
0x6e: {  	[tilespmem:s22+$0x9840] =	vst.add.f32.msk $0xffff, v0  }
0x6f: {  	[tilespmem:s22+$0x9850] =	vst.add.f32.msk $0xffff, v5  }
0x70: {  	[tilespmem:s22+$0x9860] =	vst.add.f32.msk $0xffff, v6;
	s22 =	sshra.s32 s23, $0x2;
	s23 =	sadd.s32 $0x200, s23  }
0x71: {  	v0 =	vld [tilespmem:s22+$0x3070]  }
0x72: {  	v1 =	vld [tilespmem:s22+$0x3000]  }
0x73: {  	v2 =	vld [tilespmem:s22+$0x3010]  }
0x74: {  	v3 =	vld [tilespmem:s22+$0x3020]  }
0x75: {  	v4 =	vld [tilespmem:s22+$0x3030]  }
0x76: {  	v63 =	vld [tilespmem:s22+$0x3040]  }
0x77: {  	v5 =	vld [tilespmem:s22+$0x3050]  }
0x78: {  	v6 =	vld [tilespmem:s22+$0x3060]  }
0x79: {  	[tilespmem:s22+$0x9870] =	vst.add.f32.msk $0xffff, v0  }
0x7a: {  	[tilespmem:s22+$0x9800] =	vst.add.f32.msk $0xffff, v1  }
0x7b: {  	[tilespmem:s22+$0x9810] =	vst.add.f32.msk $0xffff, v2  }
0x7c: {  	s17 =	smul.u32 $0x6400, s3;
	[tilespmem:s22+$0x9820] =	vst.add.f32.msk $0xffff, v3  }
0x7d: {  	[tilespmem:s22+$0x9830] =	vst.add.f32.msk $0xffff, v4  }
0x7e: {  	s17 =	sshrl.u32 s17, $0x3;
	[tilespmem:s22+$0x9840] =	vst.add.f32.msk $0xffff, v63  }
0x7f: {  	s17 =	sadd.s32 s4, s17;
	[tilespmem:s22+$0x9850] =	vst.add.f32.msk $0xffff, v5  }
0x80: {  	s7 =	simm.s32 $0x9800;
	s17 =	sadd.s32 $0x600, s17;
	[tilespmem:s22+$0x9860] =	vst.add.f32.msk $0xffff, v6  }
0x81: {  	[hbm4b:s17+s5] =	stream.linear.scatter [tilespmem:s7], [sflag:$0xD], $0x3400, $0x38;
	[tilespmem:$0x1F800] =	vst v63  }
0x82: {  	s17 =	simm.s32 @!p1 $0x10  }
0x83: {  	_ =	swait.ge @!p1 [sflag:s17], $0x6400  }
0x84: {  	[sflag:s17] =	ssyncset.done @!p1 $0x0  }
0x85: {  	[sflag:s17] =	ssyncadd.s32 @!p1 $0xFFFF9C00  }
0x86: {  	_ =	swait.ge [sflag:s18], $0x100  }
0x87: {  	[sflag:s18] =	ssyncset.done $0x0  }
0x88: {  	[sflag:s18] =	ssyncadd.s32 $0xFFFFFF00  }
0x89: {  	[tilespmem:s19], [sflag:$0xB] =	stream.indirect.gather [hbm4b:s2+s16], $0x80, s25, s16, $0xb8;
	[tilespmem:$0x1F800] =	vst v63  }
0x8a: {  	s23 =	simm.s32 $0x1C600;
	s22 =	simm.s32 $0x6780  }
0x8b: {  	[tilespmem:s23], [sflag:$0xC] =	stream.indirect.gather [hbm4b:s2+s16], $0x80, s22, s16, $0xb8;
	[tilespmem:$0x1F800] =	vst v63  }
0x8c: {  	_ =	swait.ge [sflag:s13], $0x3200  }
0x8d: {  	[sflag:s13] =	ssyncset.done $0x0  }
0x8e: {  	s23 =	simm.s32 $0x0;
	s22 =	simm.s32 $0x200;
	[sflag:s13] =	ssyncadd.s32 $0xFFFFCE00  }
.LBB2_7:
0x8f: {  	p1 =	sne.s32 s22, $0xBE00;
	v0 =	vld [tilespmem:s23+$0x70]  }
0x90: {  	v1 =	vld [tilespmem:s23+$0x0]  }
0x91: {  	v2 =	vld [tilespmem:s23+$0x10]  }
0x92: {  	v3 =	vld [tilespmem:s23+$0x20]  }
0x93: {  	v4 =	vld [tilespmem:s23+$0x30]  }
0x94: {  	[tilespmem:s23+$0xCC70] =	vst.add.f32.msk $0xffff, v0  }
0x95: {  	v0 =	vld [tilespmem:s23+$0x40]  }
0x96: {  	v5 =	vld [tilespmem:s23+$0x50]  }
0x97: {  	v6 =	vld [tilespmem:s23+$0x60]  }
0x98: {  	[tilespmem:s23+$0xCC00] =	vst.add.f32.msk $0xffff, v1  }
0x99: {  	[tilespmem:s23+$0xCC10] =	vst.add.f32.msk $0xffff, v2  }
.Ltmp2:
0x9a: {  	[tilespmem:s23+$0xCC20] =	vst.add.f32.msk $0xffff, v3;
	(pc) =	sbr.rel @p1 .LBB2_7-.Ltmp2, $4  }
0x9b: {  	[tilespmem:s23+$0xCC30] =	vst.add.f32.msk $0xffff, v4  }
0x9c: {  	[tilespmem:s23+$0xCC40] =	vst.add.f32.msk $0xffff, v0  }
0x9d: {  	[tilespmem:s23+$0xCC50] =	vst.add.f32.msk $0xffff, v5  }
0x9e: {  	[tilespmem:s23+$0xCC60] =	vst.add.f32.msk $0xffff, v6;
	s23 =	sshra.s32 s22, $0x2;
	s22 =	sadd.s32 $0x200, s22  }
0x9f: {  	v0 =	vld [tilespmem:s23+$0x70]  }
0xa0: {  	v1 =	vld [tilespmem:s23+$0x0]  }
0xa1: {  	v2 =	vld [tilespmem:s23+$0x10]  }
0xa2: {  	v3 =	vld [tilespmem:s23+$0x20]  }
0xa3: {  	v4 =	vld [tilespmem:s23+$0x30]  }
0xa4: {  	v63 =	vld [tilespmem:s23+$0x40]  }
0xa5: {  	v5 =	vld [tilespmem:s23+$0x50]  }
0xa6: {  	v6 =	vld [tilespmem:s23+$0x60]  }
0xa7: {  	[tilespmem:s23+$0xCC70] =	vst.add.f32.msk $0xffff, v0  }
0xa8: {  	[tilespmem:s23+$0xCC00] =	vst.add.f32.msk $0xffff, v1  }
0xa9: {  	[tilespmem:s23+$0xCC10] =	vst.add.f32.msk $0xffff, v2  }
0xaa: {  	[tilespmem:s23+$0xCC20] =	vst.add.f32.msk $0xffff, v3  }
0xab: {  	s22 =	sor.u32 $0x1, s3;
	[tilespmem:s23+$0xCC30] =	vst.add.f32.msk $0xffff, v4  }
0xac: {  	s17 =	smul.u32 $0xC80, s22;
	[tilespmem:s23+$0xCC40] =	vst.add.f32.msk $0xffff, v63  }
0xad: {  	[tilespmem:s23+$0xCC50] =	vst.add.f32.msk $0xffff, v5  }
0xae: {  	s17 =	sadd.s32 s4, s17;
	[tilespmem:s23+$0xCC60] =	vst.add.f32.msk $0xffff, v6  }
0xaf: {  	[hbm4b:s17+s5] =	stream.linear.scatter [tilespmem:s21], [sflag:$0xE], $0x3000, $0x38;
	[tilespmem:$0x1F800] =	vst v63  }
0xb0: {  	_ =	swait.ge [sflag:s14], $0x3200  }
0xb1: {  	s7 =	simm.s32 @!p0 $0x6500;
	s17 =	sshll.u32 @!p0 s22, $0x5;
	[sflag:s14] =	ssyncset.done $0x0  }
0xb2: {  	s23 =	simm.s32 @!p0 $0x0;
	s17 =	sadd.s32 @!p0 s17, s11;
	[sflag:s14] =	ssyncadd.s32 $0xFFFFCE00  }
0xb3: {  	[tilespmem:s7], [sflag:$0x2] =	stream.linear.gather @!p0 [hbm4b:s17+s23], $0x100, $0x38;
	[tilespmem:$0x1F800] =	vst v63  }
0xb4: {  	s23 =	simm.s32 $0x0;
	s17 =	simm.s32 $0x200  }
.LBB2_9:
0xb5: {  	p1 =	sne.s32 s17, $0xCE00;
	v0 =	vld [tilespmem:s23+$0x3070]  }
0xb6: {  	v1 =	vld [tilespmem:s23+$0x3000]  }
0xb7: {  	v2 =	vld [tilespmem:s23+$0x3010]  }
0xb8: {  	v3 =	vld [tilespmem:s23+$0x3020]  }
0xb9: {  	v4 =	vld [tilespmem:s23+$0x3030]  }
0xba: {  	[tilespmem:s23+$0xFC70] =	vst.add.f32.msk $0xffff, v0  }
0xbb: {  	v0 =	vld [tilespmem:s23+$0x3040]  }
0xbc: {  	v5 =	vld [tilespmem:s23+$0x3050]  }
0xbd: {  	v6 =	vld [tilespmem:s23+$0x3060]  }
0xbe: {  	[tilespmem:s23+$0xFC00] =	vst.add.f32.msk $0xffff, v1  }
0xbf: {  	[tilespmem:s23+$0xFC10] =	vst.add.f32.msk $0xffff, v2  }
.Ltmp3:
0xc0: {  	[tilespmem:s23+$0xFC20] =	vst.add.f32.msk $0xffff, v3;
	(pc) =	sbr.rel @p1 .LBB2_9-.Ltmp3, $4  }
0xc1: {  	[tilespmem:s23+$0xFC30] =	vst.add.f32.msk $0xffff, v4  }
0xc2: {  	[tilespmem:s23+$0xFC40] =	vst.add.f32.msk $0xffff, v0  }
0xc3: {  	[tilespmem:s23+$0xFC50] =	vst.add.f32.msk $0xffff, v5  }
0xc4: {  	[tilespmem:s23+$0xFC60] =	vst.add.f32.msk $0xffff, v6;
	s23 =	sshra.s32 s17, $0x2;
	s17 =	sadd.s32 $0x200, s17  }
0xc5: {  	v0 =	vld [tilespmem:s23+$0x3070]  }
0xc6: {  	v1 =	vld [tilespmem:s23+$0x3000]  }
0xc7: {  	v2 =	vld [tilespmem:s23+$0x3010]  }
0xc8: {  	v3 =	vld [tilespmem:s23+$0x3020]  }
0xc9: {  	v4 =	vld [tilespmem:s23+$0x3030]  }
0xca: {  	v63 =	vld [tilespmem:s23+$0x3040]  }
0xcb: {  	v5 =	vld [tilespmem:s23+$0x3050]  }
0xcc: {  	v6 =	vld [tilespmem:s23+$0x3060]  }
0xcd: {  	[tilespmem:s23+$0xFC70] =	vst.add.f32.msk $0xffff, v0  }
0xce: {  	[tilespmem:s23+$0xFC00] =	vst.add.f32.msk $0xffff, v1  }
0xcf: {  	[tilespmem:s23+$0xFC10] =	vst.add.f32.msk $0xffff, v2  }
0xd0: {  	s7 =	smul.u32 $0x6400, s22;
	[tilespmem:s23+$0xFC20] =	vst.add.f32.msk $0xffff, v3  }
0xd1: {  	[tilespmem:s23+$0xFC30] =	vst.add.f32.msk $0xffff, v4  }
0xd2: {  	s7 =	sshrl.u32 s7, $0x3;
	[tilespmem:s23+$0xFC40] =	vst.add.f32.msk $0xffff, v63  }
0xd3: {  	s7 =	sadd.s32 s4, s7;
	[tilespmem:s23+$0xFC50] =	vst.add.f32.msk $0xffff, v5  }
0xd4: {  	s17 =	simm.s32 $0xFC00;
	s7 =	sadd.s32 $0x600, s7;
	[tilespmem:s23+$0xFC60] =	vst.add.f32.msk $0xffff, v6  }
0xd5: {  	[hbm4b:s7+s5] =	stream.linear.scatter [tilespmem:s17], [sflag:$0xE], $0x3400, $0x38;
	[tilespmem:$0x1F800] =	vst v63  }
0xd6: {  	_ =	swait.ge [sflag:s8], $0x6400  }
0xd7: {  	[sflag:s8] =	ssyncset.done $0x0  }
0xd8: {  	s7 =	simm.s32 @!p0 $0x1;
	[sflag:s8] =	ssyncadd.s32 $0xFFFF9C00  }
0xd9: {  	_ =	swait.ge @!p0 [sflag:s7], $0x100  }
0xda: {  	s22 =	simm.s32 @!p0 $0x6800;
	[sflag:s7] =	ssyncset.done @!p0 $0x0  }
0xdb: {  	s17 =	simm.s32 @!p0 $0x6400;
	[sflag:s7] =	ssyncadd.s32 @!p0 $0xFFFFFF00;
	s7 =	simm.s32 @!p0 $0x64  }
0xdc: {  	[tilespmem:s22], [sflag:$0x5] =	stream.indirect.gather @!p0 [hbm4b:s2+s7], $0x80, s17, s7, $0xb8;
	[tilespmem:$0x1F800] =	vst v63  }
0xdd: {  	s17 =	simm.s32 @!p0 $0x6480;
	s22 =	simm.s32 @!p0 $0x9A00  }
0xde: {  	[tilespmem:s22], [sflag:$0x6] =	stream.indirect.gather @!p0 [hbm4b:s2+s7], $0x80, s17, s7, $0xb8;
	[tilespmem:$0x1F800] =	vst v63  }
0xdf: {  	_ =	swait.ge [sflag:s9], $0x3200  }
0xe0: {  	[sflag:s9] =	ssyncset.done $0x0  }
0xe1: {  	s23 =	simm.s32 $0x0;
	s17 =	simm.s32 $0x200;
	[sflag:s9] =	ssyncadd.s32 $0xFFFFCE00  }
.LBB2_11:
0xe2: {  	p1 =	sne.s32 s17, $0xBE00;
	v0 =	vld [tilespmem:s23+$0x70]  }
0xe3: {  	v1 =	vld [tilespmem:s23+$0x0]  }
0xe4: {  	v2 =	vld [tilespmem:s23+$0x10]  }
0xe5: {  	v3 =	vld [tilespmem:s23+$0x20]  }
0xe6: {  	v4 =	vld [tilespmem:s23+$0x30]  }
0xe7: {  	[tilespmem:s23+$0x13070] =	vst.add.f32.msk $0xffff, v0  }
0xe8: {  	v0 =	vld [tilespmem:s23+$0x40]  }
0xe9: {  	v5 =	vld [tilespmem:s23+$0x50]  }
0xea: {  	v6 =	vld [tilespmem:s23+$0x60]  }
0xeb: {  	[tilespmem:s23+$0x13000] =	vst.add.f32.msk $0xffff, v1  }
0xec: {  	[tilespmem:s23+$0x13010] =	vst.add.f32.msk $0xffff, v2  }
.Ltmp4:
0xed: {  	[tilespmem:s23+$0x13020] =	vst.add.f32.msk $0xffff, v3;
	(pc) =	sbr.rel @p1 .LBB2_11-.Ltmp4, $4  }
0xee: {  	[tilespmem:s23+$0x13030] =	vst.add.f32.msk $0xffff, v4  }
0xef: {  	[tilespmem:s23+$0x13040] =	vst.add.f32.msk $0xffff, v0  }
0xf0: {  	[tilespmem:s23+$0x13050] =	vst.add.f32.msk $0xffff, v5  }
0xf1: {  	[tilespmem:s23+$0x13060] =	vst.add.f32.msk $0xffff, v6;
	s23 =	sshra.s32 s17, $0x2;
	s17 =	sadd.s32 $0x200, s17  }
0xf2: {  	v0 =	vld [tilespmem:s23+$0x70]  }
0xf3: {  	v1 =	vld [tilespmem:s23+$0x0]  }
0xf4: {  	v2 =	vld [tilespmem:s23+$0x10]  }
0xf5: {  	v3 =	vld [tilespmem:s23+$0x20]  }
0xf6: {  	v4 =	vld [tilespmem:s23+$0x30]  }
0xf7: {  	v63 =	vld [tilespmem:s23+$0x40]  }
0xf8: {  	v5 =	vld [tilespmem:s23+$0x50]  }
0xf9: {  	v6 =	vld [tilespmem:s23+$0x60]  }
0xfa: {  	[tilespmem:s23+$0x13070] =	vst.add.f32.msk $0xffff, v0  }
0xfb: {  	[tilespmem:s23+$0x13000] =	vst.add.f32.msk $0xffff, v1  }
0xfc: {  	[tilespmem:s23+$0x13010] =	vst.add.f32.msk $0xffff, v2  }
0xfd: {  	[tilespmem:s23+$0x13020] =	vst.add.f32.msk $0xffff, v3  }
0xfe: {  	s22 =	sor.u32 $0x2, s3;
	[tilespmem:s23+$0x13030] =	vst.add.f32.msk $0xffff, v4  }
0xff: {  	s7 =	smul.u32 $0xC80, s22;
	[tilespmem:s23+$0x13040] =	vst.add.f32.msk $0xffff, v63  }
0x100: {  	[tilespmem:s23+$0x13050] =	vst.add.f32.msk $0xffff, v5  }
0x101: {  	s7 =	sadd.s32 s4, s7;
	[tilespmem:s23+$0x13060] =	vst.add.f32.msk $0xffff, v6  }
0x102: {  	[hbm4b:s7+s5] =	stream.linear.scatter [tilespmem:s29], [sflag:$0xF], $0x3000, $0x38;
	[tilespmem:$0x1F800] =	vst v63  }
0x103: {  	_ =	swait.ge [sflag:s10], $0x3200  }
0x104: {  	s17 =	simm.s32 @!p0 $0x0;
	s7 =	sshll.u32 @!p0 s22, $0x5;
	[sflag:s10] =	ssyncset.done $0x0  }
0x105: {  	s23 =	simm.s32 @!p0 $0x6600;
	s7 =	sadd.s32 @!p0 s7, s11;
	[sflag:s10] =	ssyncadd.s32 $0xFFFFCE00  }
0x106: {  	[tilespmem:s23], [sflag:$0x3] =	stream.linear.gather @!p0 [hbm4b:s7+s17], $0x100, $0x38;
	[tilespmem:$0x1F800] =	vst v63  }
0x107: {  	s23 =	simm.s32 $0x0;
	s17 =	simm.s32 $0x200  }
.LBB2_13:
0x108: {  	p1 =	sne.s32 s17, $0xCE00;
	v0 =	vld [tilespmem:s23+$0x3070]  }
0x109: {  	v1 =	vld [tilespmem:s23+$0x3000]  }
0x10a: {  	v2 =	vld [tilespmem:s23+$0x3010]  }
0x10b: {  	v3 =	vld [tilespmem:s23+$0x3020]  }
0x10c: {  	v4 =	vld [tilespmem:s23+$0x3030]  }
0x10d: {  	[tilespmem:s23+$0x16070] =	vst.add.f32.msk $0xffff, v0  }
0x10e: {  	v0 =	vld [tilespmem:s23+$0x3040]  }
0x10f: {  	v5 =	vld [tilespmem:s23+$0x3050]  }
0x110: {  	v6 =	vld [tilespmem:s23+$0x3060]  }
0x111: {  	[tilespmem:s23+$0x16000] =	vst.add.f32.msk $0xffff, v1  }
0x112: {  	[tilespmem:s23+$0x16010] =	vst.add.f32.msk $0xffff, v2  }
.Ltmp5:
0x113: {  	[tilespmem:s23+$0x16020] =	vst.add.f32.msk $0xffff, v3;
	(pc) =	sbr.rel @p1 .LBB2_13-.Ltmp5, $4  }
0x114: {  	[tilespmem:s23+$0x16030] =	vst.add.f32.msk $0xffff, v4  }
0x115: {  	[tilespmem:s23+$0x16040] =	vst.add.f32.msk $0xffff, v0  }
0x116: {  	[tilespmem:s23+$0x16050] =	vst.add.f32.msk $0xffff, v5  }
0x117: {  	[tilespmem:s23+$0x16060] =	vst.add.f32.msk $0xffff, v6;
	s23 =	sshra.s32 s17, $0x2;
	s17 =	sadd.s32 $0x200, s17  }
0x118: {  	v0 =	vld [tilespmem:s23+$0x3070]  }
0x119: {  	v1 =	vld [tilespmem:s23+$0x3000]  }
0x11a: {  	v2 =	vld [tilespmem:s23+$0x3010]  }
0x11b: {  	v3 =	vld [tilespmem:s23+$0x3020]  }
0x11c: {  	v4 =	vld [tilespmem:s23+$0x3030]  }
0x11d: {  	v63 =	vld [tilespmem:s23+$0x3040]  }
0x11e: {  	v5 =	vld [tilespmem:s23+$0x3050]  }
0x11f: {  	v6 =	vld [tilespmem:s23+$0x3060]  }
0x120: {  	[tilespmem:s23+$0x16070] =	vst.add.f32.msk $0xffff, v0  }
0x121: {  	[tilespmem:s23+$0x16000] =	vst.add.f32.msk $0xffff, v1  }
0x122: {  	[tilespmem:s23+$0x16010] =	vst.add.f32.msk $0xffff, v2  }
0x123: {  	s7 =	smul.u32 $0x6400, s22;
	[tilespmem:s23+$0x16020] =	vst.add.f32.msk $0xffff, v3  }
0x124: {  	[tilespmem:s23+$0x16030] =	vst.add.f32.msk $0xffff, v4  }
0x125: {  	s7 =	sshrl.u32 s7, $0x3;
	[tilespmem:s23+$0x16040] =	vst.add.f32.msk $0xffff, v63  }
0x126: {  	s7 =	sadd.s32 s4, s7;
	[tilespmem:s23+$0x16050] =	vst.add.f32.msk $0xffff, v5  }
0x127: {  	s7 =	sadd.s32 $0x600, s7;
	[tilespmem:s23+$0x16060] =	vst.add.f32.msk $0xffff, v6  }
0x128: {  	[hbm4b:s7+s5] =	stream.linear.scatter [tilespmem:s12], [sflag:$0xF], $0x3400, $0x38;
	[tilespmem:$0x1F800] =	vst v63  }
0x129: {  	_ =	swait.ge [sflag:s15], $0x6400  }
0x12a: {  	[sflag:s15] =	ssyncset.done $0x0  }
0x12b: {  	s7 =	simm.s32 @!p0 $0x2;
	[sflag:s15] =	ssyncadd.s32 $0xFFFF9C00  }
0x12c: {  	_ =	swait.ge @!p0 [sflag:s7], $0x100  }
0x12d: {  	s17 =	simm.s32 @!p0 $0x6500;
	[sflag:s7] =	ssyncset.done @!p0 $0x0  }
0x12e: {  	s22 =	simm.s32 @!p0 $0xCC00;
	[sflag:s7] =	ssyncadd.s32 @!p0 $0xFFFFFF00;
	s7 =	simm.s32 @!p0 $0x64  }
0x12f: {  	[tilespmem:s22], [sflag:$0x7] =	stream.indirect.gather @!p0 [hbm4b:s2+s7], $0x80, s17, s7, $0xb8;
	[tilespmem:$0x1F800] =	vst v63  }
0x130: {  	s17 =	simm.s32 @!p0 $0x6580;
	s22 =	simm.s32 @!p0 $0xFE00  }
0x131: {  	[tilespmem:s22], [sflag:$0x8] =	stream.indirect.gather @!p0 [hbm4b:s2+s7], $0x80, s17, s7, $0xb8;
	[tilespmem:$0x1F800] =	vst v63  }
0x132: {  	_ =	swait.ge [sflag:s20], $0x3200  }
0x133: {  	[sflag:s20] =	ssyncset.done $0x0  }
0x134: {  	s22 =	simm.s32 $0x0;
	s17 =	simm.s32 $0x200;
	[sflag:s20] =	ssyncadd.s32 $0xFFFFCE00  }
.LBB2_15:
0x135: {  	p1 =	sne.s32 s17, $0xBE00;
	v0 =	vld [tilespmem:s22+$0x70]  }
0x136: {  	v1 =	vld [tilespmem:s22+$0x0]  }
0x137: {  	v2 =	vld [tilespmem:s22+$0x10]  }
0x138: {  	v3 =	vld [tilespmem:s22+$0x20]  }
0x139: {  	v4 =	vld [tilespmem:s22+$0x30]  }
0x13a: {  	[tilespmem:s22+$0x19470] =	vst.add.f32.msk $0xffff, v0  }
0x13b: {  	v0 =	vld [tilespmem:s22+$0x40]  }
0x13c: {  	v5 =	vld [tilespmem:s22+$0x50]  }
0x13d: {  	v6 =	vld [tilespmem:s22+$0x60]  }
0x13e: {  	[tilespmem:s22+$0x19400] =	vst.add.f32.msk $0xffff, v1  }
0x13f: {  	[tilespmem:s22+$0x19410] =	vst.add.f32.msk $0xffff, v2  }
.Ltmp6:
0x140: {  	[tilespmem:s22+$0x19420] =	vst.add.f32.msk $0xffff, v3;
	(pc) =	sbr.rel @p1 .LBB2_15-.Ltmp6, $4  }
0x141: {  	[tilespmem:s22+$0x19430] =	vst.add.f32.msk $0xffff, v4  }
0x142: {  	[tilespmem:s22+$0x19440] =	vst.add.f32.msk $0xffff, v0  }
0x143: {  	[tilespmem:s22+$0x19450] =	vst.add.f32.msk $0xffff, v5  }
0x144: {  	[tilespmem:s22+$0x19460] =	vst.add.f32.msk $0xffff, v6;
	s22 =	sshra.s32 s17, $0x2;
	s17 =	sadd.s32 $0x200, s17  }
0x145: {  	v0 =	vld [tilespmem:s22+$0x70]  }
0x146: {  	v1 =	vld [tilespmem:s22+$0x0]  }
0x147: {  	v2 =	vld [tilespmem:s22+$0x10]  }
0x148: {  	v3 =	vld [tilespmem:s22+$0x20]  }
0x149: {  	v4 =	vld [tilespmem:s22+$0x30]  }
0x14a: {  	v63 =	vld [tilespmem:s22+$0x40]  }
0x14b: {  	v5 =	vld [tilespmem:s22+$0x50]  }
0x14c: {  	v6 =	vld [tilespmem:s22+$0x60]  }
0x14d: {  	[tilespmem:s22+$0x19470] =	vst.add.f32.msk $0xffff, v0  }
0x14e: {  	[tilespmem:s22+$0x19400] =	vst.add.f32.msk $0xffff, v1  }
0x14f: {  	[tilespmem:s22+$0x19410] =	vst.add.f32.msk $0xffff, v2  }
0x150: {  	[tilespmem:s22+$0x19420] =	vst.add.f32.msk $0xffff, v3  }
0x151: {  	s3 =	sor.u32 $0x3, s3;
	[tilespmem:s22+$0x19430] =	vst.add.f32.msk $0xffff, v4  }
0x152: {  	s7 =	smul.u32 $0xC80, s3;
	[tilespmem:s22+$0x19440] =	vst.add.f32.msk $0xffff, v63  }
0x153: {  	[tilespmem:s22+$0x19450] =	vst.add.f32.msk $0xffff, v5  }
0x154: {  	s7 =	sadd.s32 s4, s7;
	[tilespmem:s22+$0x19460] =	vst.add.f32.msk $0xffff, v6  }
0x155: {  	[hbm4b:s7+s5] =	stream.linear.scatter [tilespmem:s19], [sflag:$0x10], $0x3000, $0x38;
	[tilespmem:$0x1F800] =	vst v63  }
0x156: {  	_ =	swait.ge [sflag:s26], $0x3200  }
0x157: {  	s17 =	simm.s32 @!p0 $0x0;
	s7 =	sshll.u32 @!p0 s3, $0x5;
	[sflag:s26] =	ssyncset.done $0x0  }
0x158: {  	s22 =	simm.s32 @!p0 $0x6700;
	s7 =	sadd.s32 @!p0 s7, s11;
	[sflag:s26] =	ssyncadd.s32 $0xFFFFCE00  }
0x159: {  	[tilespmem:s22], [sflag:$0x4] =	stream.linear.gather @!p0 [hbm4b:s7+s17], $0x100, $0x38;
	[tilespmem:$0x1F800] =	vst v63  }
0x15a: {  	s22 =	simm.s32 $0x0;
	s17 =	simm.s32 $0x200  }
.LBB2_17:
0x15b: {  	p0 =	sne.s32 s17, $0xCE00;
	v0 =	vld [tilespmem:s22+$0x3070]  }
0x15c: {  	v1 =	vld [tilespmem:s22+$0x3000]  }
0x15d: {  	v2 =	vld [tilespmem:s22+$0x3010]  }
0x15e: {  	v3 =	vld [tilespmem:s22+$0x3020]  }
0x15f: {  	v4 =	vld [tilespmem:s22+$0x3030]  }
0x160: {  	[tilespmem:s22+$0x1C470] =	vst.add.f32.msk $0xffff, v0  }
0x161: {  	v0 =	vld [tilespmem:s22+$0x3040]  }
0x162: {  	v5 =	vld [tilespmem:s22+$0x3050]  }
0x163: {  	v6 =	vld [tilespmem:s22+$0x3060]  }
0x164: {  	[tilespmem:s22+$0x1C400] =	vst.add.f32.msk $0xffff, v1  }
0x165: {  	[tilespmem:s22+$0x1C410] =	vst.add.f32.msk $0xffff, v2  }
.Ltmp7:
0x166: {  	[tilespmem:s22+$0x1C420] =	vst.add.f32.msk $0xffff, v3;
	(pc) =	sbr.rel @p0 .LBB2_17-.Ltmp7, $4  }
0x167: {  	[tilespmem:s22+$0x1C430] =	vst.add.f32.msk $0xffff, v4  }
0x168: {  	[tilespmem:s22+$0x1C440] =	vst.add.f32.msk $0xffff, v0  }
0x169: {  	[tilespmem:s22+$0x1C450] =	vst.add.f32.msk $0xffff, v5  }
0x16a: {  	[tilespmem:s22+$0x1C460] =	vst.add.f32.msk $0xffff, v6;
	s22 =	sshra.s32 s17, $0x2;
	s17 =	sadd.s32 $0x200, s17  }
0x16b: {  	v0 =	vld [tilespmem:s22+$0x3070]  }
0x16c: {  	v1 =	vld [tilespmem:s22+$0x3000]  }
0x16d: {  	v2 =	vld [tilespmem:s22+$0x3010]  }
0x16e: {  	v3 =	vld [tilespmem:s22+$0x3020]  }
0x16f: {  	v4 =	vld [tilespmem:s22+$0x3030]  }
0x170: {  	v63 =	vld [tilespmem:s22+$0x3040]  }
0x171: {  	v5 =	vld [tilespmem:s22+$0x3050]  }
0x172: {  	v6 =	vld [tilespmem:s22+$0x3060]  }
0x173: {  	[tilespmem:s22+$0x1C470] =	vst.add.f32.msk $0xffff, v0  }
0x174: {  	[tilespmem:s22+$0x1C400] =	vst.add.f32.msk $0xffff, v1  }
0x175: {  	s31 =	sadd.s32 $0x1, s31;
	[tilespmem:s22+$0x1C410] =	vst.add.f32.msk $0xffff, v2  }
0x176: {  	s3 =	smul.u32 $0x6400, s3;
	p0 =	sne.s32 s31, $0x8;
	[tilespmem:s22+$0x1C420] =	vst.add.f32.msk $0xffff, v3  }
.Ltmp8:
0x177: {  	[tilespmem:s22+$0x1C430] =	vst.add.f32.msk $0xffff, v4;
	(pc) =	sbr.rel @p0 .LBB2_2-.Ltmp8, $4  }
0x178: {  	s3 =	sshrl.u32 s3, $0x3;
	[tilespmem:s22+$0x1C440] =	vst.add.f32.msk $0xffff, v63  }
0x179: {  	s3 =	sadd.s32 s4, s3;
	[tilespmem:s22+$0x1C450] =	vst.add.f32.msk $0xffff, v5  }
0x17a: {  	s3 =	sadd.s32 $0x600, s3;
	[tilespmem:s22+$0x1C460] =	vst.add.f32.msk $0xffff, v6  }
0x17b: {  	[hbm4b:s3+s5] =	stream.linear.scatter [tilespmem:s30], [sflag:$0x10], $0x3400, $0x38;
	[tilespmem:$0x1F800] =	vst v63  }
0x17c: {  	s3 =	simm.s32 $0xF  }
0x17d: {  	_ =	swait.ge [sflag:s3], $0x6400  }
0x17e: {  	[sflag:s3] =	ssyncset.done $0x0  }
0x17f: {  	s7 =	simm.s32 $0x10;
	[sflag:s3] =	ssyncadd.s32 $0xFFFF9C00  }
0x180: {  	_ =	swait.ge [sflag:s7], $0x6400  }
0x181: {  	s17 =	rddreg [dreg:$0xa]  }
0x182: {  	s31 =	rddreg [dreg:$0x9];
	s17 =	sadd.s32 $0x1, s17  }
0x183: {  	p0 =	sne.s32 s17, s31  }
.Ltmp9:
0x184: {  	_ = 	snop;
	(pc) =	sbr.rel @p0 .LBB2_1-.Ltmp9, $3  }
0x185: {  	_ =	sdelay $0x1  }
0x186: {  	[sflag:s7] =	ssyncset.done $0x0  }
0x187: {  	[sflag:s7] =	ssyncadd.s32 $0xFFFF9C00  }
0x188: {  	_ =	sfence.sel $0x180000  }
0x189: {  	[bflag:$0x0] =	sbarrier.arrive $0xFFFF  }
0x18a: {  	_ =	strace $0x90000047  }
0x18b: {  	s0 =	stileid.u32;
	[bflag:$0x2] =	sbarrier.arrive $0xFFFF  }
0x18c: {  	p0 =	sne.s32 s0, $0x0;
	s0 =	rddreg [dreg:$0x4]  }
0x18d: {  	s0 =	sadd.s32 @!p0 $0x100000, s0  }
0x18e: {  	[sflag:s0] =	ssyncadd.tile.s32 @!p0 $0x1;
	_ =	shalt  }
.Lfunc_end2:
_tile_overlayer_lowered:
.L_overlay_start_2:
0x18f: {  	(tag) =	ssettag $0x2  }
0x190: {  	s0 =	rddreg [dreg:$0x0];
	s2 =	stileid.u32  }
0x191: {  	s1 =	rddreg [dreg:$0x1];
	p0 =	sne.s32 s2, $0x0  }
0x192: {  	s3 =	rddreg [dreg:$0x2];
	[bflag:$0x3] =	sbarrier.arrive $0xFFFF;
	s2 =	simm.s32 @!p0 $0x1C12  }
0x193: {  	[timem:s3], [sflag:s2] =	dma.local @!p0 [hbm:s0], s1  }
0x194: {  	s0 =	simm.s32 @!p0 $0x12  }
0x195: {  	_ =	swait.ge @!p0 [sflag:s0], s1  }
0x196: {  	s1 =	ssub.s32 @!p0 $0x0, s1;
	[sflag:s0] =	ssyncset.done @!p0 $0x0  }
0x197: {  	[sflag:s0] =	ssyncadd.s32 @!p0 s1  }
0x198: {  	[bflag:$0x3] =	sbarrier.arrive $0xFFFF  }
0x199: {  	_ =	shalt  }

</sc_bundles>
